<compile_context>
chip_gen: v7x
topology: tpu7x:2x2x1
jax: 0.10.2.dev20260603
libtpu: 0.0.44.dev20260713+nightly
codegen_flags: <defaults>
</compile_context>

<pallas_src>
import functools

import jax
import jax.numpy as jnp
from jax import lax
from jax.experimental import pallas as pl
from jax.experimental.pallas import tpu as pltpu
from jax.experimental.pallas import tpu_sc as plsc

DIM = 128
NC = 2
NS = 16
NW = NC * NS
CHUNK = 128


@functools.partial(jax.jit, static_argnums=(3, 4, 5))
def _gather_pairs(pos, cos_cached, sin_cached, B, S, n_chunks):
    mesh = plsc.VectorSubcoreMesh(
        core_axis_name="c", subcore_axis_name="s",
        num_cores=NC, num_subcores=NS)

    out_type = (
        jax.ShapeDtypeStruct((B, 1, S, DIM), jnp.float32),
        jax.ShapeDtypeStruct((B, 1, S, DIM), jnp.float32),
    )
    s_per_w = n_chunks * CHUNK

    NBUF = 3

    @functools.partial(
        pl.kernel,
        out_type=out_type,
        mesh=mesh,
        scratch_types=[
            pltpu.VMEM((n_chunks * CHUNK,), jnp.int32),
            [pltpu.VMEM((CHUNK, DIM), jnp.float32) for _ in range(NBUF)],
            [pltpu.VMEM((CHUNK, DIM), jnp.float32) for _ in range(NBUF)],
            [pltpu.SemaphoreType.DMA for _ in range(4 * NBUF)],
        ],
    )
    def k(pos_hbm, cos_hbm, sin_hbm, cos_out, sin_out,
          idx_v, rows_c, rows_s, sems):
        gc, gs = sems[:NBUF], sems[NBUF:2 * NBUF]
        wc, ws = sems[2 * NBUF:3 * NBUF], sems[3 * NBUF:]
        wid = lax.axis_index("s") * NC + lax.axis_index("c")
        w_per_b = S // s_per_w
        b = wid // w_per_b
        s_base = (wid % w_per_b) * s_per_w
        pltpu.sync_copy(pos_hbm.at[b, pl.ds(s_base, s_per_w)], idx_v)

        def gather(ch):
            bf = ch % NBUF
            idx = idx_v.at[pl.ds(ch * CHUNK, CHUNK)]
            return (
                pltpu.async_copy(cos_hbm.at[idx], rows_c[bf], gc[bf]),
                pltpu.async_copy(sin_hbm.at[idx], rows_s[bf], gs[bf]),
            )

        g = {ch: gather(ch) for ch in range(min(NBUF, n_chunks))}
        w = {}
        for ch in range(n_chunks):
            bf = ch % NBUF
            out_slice = pl.ds(s_base + ch * CHUNK, CHUNK)
            g[ch][0].wait()
            w[ch] = [pltpu.async_copy(
                rows_c[bf], cos_out.at[b, 0, out_slice], wc[bf])]
            g[ch][1].wait()
            w[ch].append(pltpu.async_copy(
                rows_s[bf], sin_out.at[b, 0, out_slice], ws[bf]))
            nxt = ch + NBUF
            if nxt < n_chunks:
                for cpy in w[ch]:
                    cpy.wait()
                del w[ch]
                g[nxt] = gather(nxt)
        for ch in sorted(w):
            for cpy in w[ch]:
                cpy.wait()

    return k(pos, cos_cached, sin_cached)


def kernel(x, position_ids, cos_cached, sin_cached):
    B, S = position_ids.shape
    n_chunks = (B * S) // (NW * CHUNK)
    pos = position_ids.astype(jnp.int32)
    return _gather_pairs(pos, cos_cached, sin_cached, B, S, n_chunks)

# --- scband reference (transcript-rebuilt; emitter-appended) ---
"""Pipeline reference for scband-rotary-embedding-85727547228328 (READ-ONLY COPY).

The authoritative reference and input builder live on the scoring server;
editing this copy changes nothing except your own understanding.
"""

import jax, jax.numpy as jnp
import numpy as np

DIM = 128
MAX_POS = 8192
BASE = 10000.0
B = 2
S = 8192
D_MODEL = 2048


def _build_caches():
    inv_freq = 1.0 / (BASE ** (jnp.arange(0, DIM, 2, dtype=jnp.float32) / DIM))
    t = jnp.arange(MAX_POS, dtype=jnp.float32)
    freqs = jnp.outer(t, inv_freq)
    emb = jnp.concatenate([freqs, freqs], axis=-1)
    return jnp.cos(emb), jnp.sin(emb)


def setup_inputs(seed: int = 0) -> dict:
    key = jax.random.key(seed)
    k1, k2 = jax.random.split(key)
    x = jax.random.normal(k1, (B, S, D_MODEL), dtype=jnp.float32)
    position_ids = jax.random.randint(k2, (B, S), 0, MAX_POS)
    cos_cached, sin_cached = _build_caches()
    return {"x": x, "position_ids": position_ids, "cos_cached": cos_cached, "sin_cached": sin_cached}


def reference(x, position_ids, cos_cached, sin_cached):
    # cos = self.cos_cached[position_ids].unsqueeze(1)
    cos = jnp.take(cos_cached, position_ids, axis=0)[:, None, :, :]
    sin = jnp.take(sin_cached, position_ids, axis=0)[:, None, :, :]
    return (cos, sin)

if __name__ == "__main__":
    import jax
    _d = setup_inputs()
    print(jax.jit(kernel)(*tuple(_d.values())))

</pallas_src>

<mosaic_0001>
#map = affine_map<(d0, d1) -> (0, 0)>
#map1 = affine_map<(d0, d1) -> (0, 0, 0, 0)>
module attributes {stable_mosaic.version = 14 : i64} {
  func.func @k(%arg0: i32, %arg1: i32, %arg2: memref<2x8192xi32, #tpu.memory_space<hbm>>, %arg3: memref<8192x128xf32, #tpu.memory_space<hbm>>, %arg4: memref<8192x128xf32, #tpu.memory_space<hbm>>, %arg5: memref<2x1x8192x128xf32, #tpu.memory_space<hbm>>, %arg6: memref<2x1x8192x128xf32, #tpu.memory_space<hbm>>, %arg7: memref<512xi32, #tpu.memory_space<vmem>>, %arg8: memref<128x128xf32, #tpu.memory_space<vmem>>, %arg9: memref<128x128xf32, #tpu.memory_space<vmem>>, %arg10: memref<128x128xf32, #tpu.memory_space<vmem>>, %arg11: memref<128x128xf32, #tpu.memory_space<vmem>>, %arg12: memref<128x128xf32, #tpu.memory_space<vmem>>, %arg13: memref<128x128xf32, #tpu.memory_space<vmem>>, %arg14: memref<!tpu.dma_semaphore, #tpu.memory_space<semaphore_mem>>, %arg15: memref<!tpu.dma_semaphore, #tpu.memory_space<semaphore_mem>>, %arg16: memref<!tpu.dma_semaphore, #tpu.memory_space<semaphore_mem>>, %arg17: memref<!tpu.dma_semaphore, #tpu.memory_space<semaphore_mem>>, %arg18: memref<!tpu.dma_semaphore, #tpu.memory_space<semaphore_mem>>, %arg19: memref<!tpu.dma_semaphore, #tpu.memory_space<semaphore_mem>>, %arg20: memref<!tpu.dma_semaphore, #tpu.memory_space<semaphore_mem>>, %arg21: memref<!tpu.dma_semaphore, #tpu.memory_space<semaphore_mem>>, %arg22: memref<!tpu.dma_semaphore, #tpu.memory_space<semaphore_mem>>, %arg23: memref<!tpu.dma_semaphore, #tpu.memory_space<semaphore_mem>>, %arg24: memref<!tpu.dma_semaphore, #tpu.memory_space<semaphore_mem>>, %arg25: memref<!tpu.dma_semaphore, #tpu.memory_space<semaphore_mem>>) attributes {dimension_semantics = [#tpu.dimension_semantics<core_parallel>, #tpu.dimension_semantics<subcore_parallel>], iteration_bounds = array<i64: 2, 16>, scalar_prefetch = 0 : i64, scratch_operands = 19 : i64, tpu.core_type = #tpu.core_type<sc_vector_subcore>, window_params = [{transform_indices = #map}, {transform_indices = #map}, {transform_indices = #map}, {transform_indices = #map1}, {transform_indices = #map1}]} {
    %mul3A = arith.constant 2 : i32
    %mul3A_0 = arith.muli %arg1, %mul3A : i32
    %add3A = arith.addi %mul3A_0, %arg0 : i32
    %jit3A = arith.constant 16 : i32
    %div3A = arith.divsi %add3A, %jit3A : i32
    %sign3A = arith.constant 0 : i32
    %sign3A_1 = arith.cmpi sgt, %add3A, %sign3A : i32
    %sign3A_2 = arith.extui %sign3A_1 : i1 to i32
    %sign3A_3 = arith.constant 0 : i32
    %sign3A_4 = arith.cmpi slt, %add3A, %sign3A_3 : i32
    %sign3A_5 = arith.extui %sign3A_4 : i1 to i32
    %sign3A_6 = arith.subi %sign3A_2, %sign3A_5 : i32
    %sign3A_7 = arith.constant 0 : i32
    %sign3A_8 = arith.cmpi sgt, %jit3A, %sign3A_7 : i32
    %sign3A_9 = arith.extui %sign3A_8 : i1 to i32
    %sign3A_10 = arith.constant 0 : i32
    %sign3A_11 = arith.cmpi slt, %jit3A, %sign3A_10 : i32
    %sign3A_12 = arith.extui %sign3A_11 : i1 to i32
    %sign3A_13 = arith.subi %sign3A_9, %sign3A_12 : i32
    %ne3A = arith.cmpi ne, %sign3A_6, %sign3A_13 : i32
    %rem3A = arith.remsi %add3A, %jit3A : i32
    %ne3A_14 = arith.constant 0 : i32
    %ne3A_15 = arith.cmpi ne, %rem3A, %ne3A_14 : i32
    %and3A = arith.andi %ne3A, %ne3A_15 : i1
    %sub3A = arith.constant 1 : i32
    %sub3A_16 = arith.subi %div3A, %sub3A : i32
    %select_n3A = arith.select %and3A, %sub3A_16, %div3A : i32
    %jit3A_17 = arith.constant 16 : i32
    %eq3A = arith.constant 0 : i32
    %eq3A_18 = arith.cmpi eq, %jit3A_17, %eq3A : i32
    %jit3A_19 = arith.constant 1 : i32
    %select_n3A_20 = arith.select %eq3A_18, %jit3A_19, %jit3A_17 : i32
    %rem3A_21 = arith.remsi %add3A, %select_n3A_20 : i32
    %ne3A_22 = arith.constant 0 : i32
    %ne3A_23 = arith.cmpi ne, %rem3A_21, %ne3A_22 : i32
    %lt3A = arith.constant 0 : i32
    %lt3A_24 = arith.cmpi slt, %rem3A_21, %lt3A : i32
    %lt3A_25 = arith.constant 0 : i32
    %lt3A_26 = arith.cmpi slt, %select_n3A_20, %lt3A_25 : i32
    %ne3A_27 = arith.xori %lt3A_24, %lt3A_26 : i1
    %and3A_28 = arith.andi %ne3A_27, %ne3A_23 : i1
    %add3A_29 = arith.addi %rem3A_21, %select_n3A_20 : i32
    %select_n3A_30 = arith.select %and3A_28, %add3A_29, %rem3A_21 : i32
    %mul3A_31 = arith.constant 512 : i32
    %mul3A_32 = arith.muli %select_n3A_30, %mul3A_31 : i32
    "tpu.region"() ({
      %run_scoped3A = tpu.sem_alloc : memref<!tpu.dma_semaphore, #tpu.memory_space<semaphore_mem>>
      %dma_start3A_231 = tpu.memref_slice %arg2[%select_n3A, %mul3A_32] : memref<2x8192xi32, #tpu.memory_space<hbm>> -> memref<1x512xi32, #tpu.memory_space<hbm>>
      %dma_start3A_232 = tpu.memref_squeeze %dma_start3A_231 : memref<1x512xi32, #tpu.memory_space<hbm>> -> memref<512xi32, #tpu.memory_space<hbm>>
      %dma_start3A_233 = tpu.memref_slice %arg2[%select_n3A, %mul3A_32] : memref<2x8192xi32, #tpu.memory_space<hbm>> -> memref<1x512xi32, #tpu.memory_space<hbm>>
      %dma_start3A_234 = tpu.memref_squeeze %dma_start3A_233 : memref<1x512xi32, #tpu.memory_space<hbm>> -> memref<512xi32, #tpu.memory_space<hbm>>
      tpu.enqueue_dma source(%dma_start3A_234 : memref<512xi32, #tpu.memory_space<hbm>>) target(%arg7 : memref<512xi32, #tpu.memory_space<vmem>>) target_semaphore(%run_scoped3A : memref<!tpu.dma_semaphore, #tpu.memory_space<semaphore_mem>>)
      %dma_wait3A_235 = tpu.memref_slice %arg2[%select_n3A, %mul3A_32] : memref<2x8192xi32, #tpu.memory_space<hbm>> -> memref<1x512xi32, #tpu.memory_space<hbm>>
      %dma_wait3A_236 = tpu.memref_squeeze %dma_wait3A_235 : memref<1x512xi32, #tpu.memory_space<hbm>> -> memref<512xi32, #tpu.memory_space<hbm>>
      %dma_wait3A_237 = tpu.memref_slice %arg2[%select_n3A, %mul3A_32] : memref<2x8192xi32, #tpu.memory_space<hbm>> -> memref<1x512xi32, #tpu.memory_space<hbm>>
      %dma_wait3A_238 = tpu.memref_squeeze %dma_wait3A_237 : memref<1x512xi32, #tpu.memory_space<hbm>> -> memref<512xi32, #tpu.memory_space<hbm>>
      tpu.wait_dma2 semaphore(%run_scoped3A : memref<!tpu.dma_semaphore, #tpu.memory_space<semaphore_mem>>) src(%dma_wait3A_238 : memref<512xi32, #tpu.memory_space<hbm>>) dst(%arg7 : memref<512xi32, #tpu.memory_space<vmem>>)
      tpu.yield
    }) : () -> ()
    %dma_start3A = arith.constant 0 : i32
    %dma_start3A_33 = tpu.memref_slice %arg7[%dma_start3A] : memref<512xi32, #tpu.memory_space<vmem>> -> memref<128xi32, #tpu.memory_space<vmem>>
    %dma_start3A_34 = arith.constant 0 : i32
    %dma_start3A_35 = arith.constant 0 : i32
    %dma_start3A_36 = tpu.memref_slice %arg3[%dma_start3A_34, %dma_start3A_35] : memref<8192x128xf32, #tpu.memory_space<hbm>> -> memref<8192x128xf32, #tpu.memory_space<hbm>>
    tpu.enqueue_indirect_dma source(%dma_start3A_36 : memref<8192x128xf32, #tpu.memory_space<hbm>>) target(%arg8 : memref<128x128xf32, #tpu.memory_space<vmem>>) offsets(%dma_start3A_33 : memref<128xi32, #tpu.memory_space<vmem>>) semaphore(%arg14 : memref<!tpu.dma_semaphore, #tpu.memory_space<semaphore_mem>>)
    %dma_start3A_37 = arith.constant 0 : i32
    %dma_start3A_38 = tpu.memref_slice %arg7[%dma_start3A_37] : memref<512xi32, #tpu.memory_space<vmem>> -> memref<128xi32, #tpu.memory_space<vmem>>
    %dma_start3A_39 = arith.constant 0 : i32
    %dma_start3A_40 = arith.constant 0 : i32
    %dma_start3A_41 = tpu.memref_slice %arg4[%dma_start3A_39, %dma_start3A_40] : memref<8192x128xf32, #tpu.memory_space<hbm>> -> memref<8192x128xf32, #tpu.memory_space<hbm>>
    tpu.enqueue_indirect_dma source(%dma_start3A_41 : memref<8192x128xf32, #tpu.memory_space<hbm>>) target(%arg11 : memref<128x128xf32, #tpu.memory_space<vmem>>) offsets(%dma_start3A_38 : memref<128xi32, #tpu.memory_space<vmem>>) semaphore(%arg17 : memref<!tpu.dma_semaphore, #tpu.memory_space<semaphore_mem>>)
    %dma_start3A_42 = arith.constant 128 : i32
    %dma_start3A_43 = tpu.memref_slice %arg7[%dma_start3A_42] : memref<512xi32, #tpu.memory_space<vmem>> -> memref<128xi32, #tpu.memory_space<vmem>>
    %dma_start3A_44 = arith.constant 0 : i32
    %dma_start3A_45 = arith.constant 0 : i32
    %dma_start3A_46 = tpu.memref_slice %arg3[%dma_start3A_44, %dma_start3A_45] : memref<8192x128xf32, #tpu.memory_space<hbm>> -> memref<8192x128xf32, #tpu.memory_space<hbm>>
    tpu.enqueue_indirect_dma source(%dma_start3A_46 : memref<8192x128xf32, #tpu.memory_space<hbm>>) target(%arg9 : memref<128x128xf32, #tpu.memory_space<vmem>>) offsets(%dma_start3A_43 : memref<128xi32, #tpu.memory_space<vmem>>) semaphore(%arg15 : memref<!tpu.dma_semaphore, #tpu.memory_space<semaphore_mem>>)
    %dma_start3A_47 = arith.constant 128 : i32
    %dma_start3A_48 = tpu.memref_slice %arg7[%dma_start3A_47] : memref<512xi32, #tpu.memory_space<vmem>> -> memref<128xi32, #tpu.memory_space<vmem>>
    %dma_start3A_49 = arith.constant 0 : i32
    %dma_start3A_50 = arith.constant 0 : i32
    %dma_start3A_51 = tpu.memref_slice %arg4[%dma_start3A_49, %dma_start3A_50] : memref<8192x128xf32, #tpu.memory_space<hbm>> -> memref<8192x128xf32, #tpu.memory_space<hbm>>
    tpu.enqueue_indirect_dma source(%dma_start3A_51 : memref<8192x128xf32, #tpu.memory_space<hbm>>) target(%arg12 : memref<128x128xf32, #tpu.memory_space<vmem>>) offsets(%dma_start3A_48 : memref<128xi32, #tpu.memory_space<vmem>>) semaphore(%arg18 : memref<!tpu.dma_semaphore, #tpu.memory_space<semaphore_mem>>)
    %dma_start3A_52 = arith.constant 256 : i32
    %dma_start3A_53 = tpu.memref_slice %arg7[%dma_start3A_52] : memref<512xi32, #tpu.memory_space<vmem>> -> memref<128xi32, #tpu.memory_space<vmem>>
    %dma_start3A_54 = arith.constant 0 : i32
    %dma_start3A_55 = arith.constant 0 : i32
    %dma_start3A_56 = tpu.memref_slice %arg3[%dma_start3A_54, %dma_start3A_55] : memref<8192x128xf32, #tpu.memory_space<hbm>> -> memref<8192x128xf32, #tpu.memory_space<hbm>>
    tpu.enqueue_indirect_dma source(%dma_start3A_56 : memref<8192x128xf32, #tpu.memory_space<hbm>>) target(%arg10 : memref<128x128xf32, #tpu.memory_space<vmem>>) offsets(%dma_start3A_53 : memref<128xi32, #tpu.memory_space<vmem>>) semaphore(%arg16 : memref<!tpu.dma_semaphore, #tpu.memory_space<semaphore_mem>>)
    %dma_start3A_57 = arith.constant 256 : i32
    %dma_start3A_58 = tpu.memref_slice %arg7[%dma_start3A_57] : memref<512xi32, #tpu.memory_space<vmem>> -> memref<128xi32, #tpu.memory_space<vmem>>
    %dma_start3A_59 = arith.constant 0 : i32
    %dma_start3A_60 = arith.constant 0 : i32
    %dma_start3A_61 = tpu.memref_slice %arg4[%dma_start3A_59, %dma_start3A_60] : memref<8192x128xf32, #tpu.memory_space<hbm>> -> memref<8192x128xf32, #tpu.memory_space<hbm>>
    tpu.enqueue_indirect_dma source(%dma_start3A_61 : memref<8192x128xf32, #tpu.memory_space<hbm>>) target(%arg13 : memref<128x128xf32, #tpu.memory_space<vmem>>) offsets(%dma_start3A_58 : memref<128xi32, #tpu.memory_space<vmem>>) semaphore(%arg19 : memref<!tpu.dma_semaphore, #tpu.memory_space<semaphore_mem>>)
    %add3A_62 = arith.constant 0 : i32
    %add3A_63 = arith.addi %mul3A_32, %add3A_62 : i32
    %dma_wait3A = arith.constant 0 : i32
    %dma_wait3A_64 = tpu.memref_slice %arg7[%dma_wait3A] : memref<512xi32, #tpu.memory_space<vmem>> -> memref<128xi32, #tpu.memory_space<vmem>>
    %dma_wait3A_65 = arith.constant 0 : i32
    %dma_wait3A_66 = arith.constant 0 : i32
    %dma_wait3A_67 = tpu.memref_slice %arg3[%dma_wait3A_65, %dma_wait3A_66] : memref<8192x128xf32, #tpu.memory_space<hbm>> -> memref<8192x128xf32, #tpu.memory_space<hbm>>
    tpu.wait_indirect_dma semaphore(%arg14 : memref<!tpu.dma_semaphore, #tpu.memory_space<semaphore_mem>>) src(%dma_wait3A_67 : memref<8192x128xf32, #tpu.memory_space<hbm>>) dst(%arg8 : memref<128x128xf32, #tpu.memory_space<vmem>>)
    %dma_start3A_68 = arith.constant 0 : i32
    %dma_start3A_69 = arith.constant 0 : i32
    %dma_start3A_70 = tpu.memref_slice %arg5[%select_n3A, %dma_start3A_68, %add3A_63, %dma_start3A_69] : memref<2x1x8192x128xf32, #tpu.memory_space<hbm>> -> memref<1x1x128x128xf32, #tpu.memory_space<hbm>>
    %dma_start3A_71 = tpu.memref_squeeze %dma_start3A_70 : memref<1x1x128x128xf32, #tpu.memory_space<hbm>> -> memref<128x128xf32, #tpu.memory_space<hbm>>
    %dma_start3A_72 = arith.constant 0 : i32
    %dma_start3A_73 = tpu.memref_slice %arg5[%select_n3A, %dma_start3A_68, %add3A_63, %dma_start3A_72] : memref<2x1x8192x128xf32, #tpu.memory_space<hbm>> -> memref<1x1x128x128xf32, #tpu.memory_space<hbm>>
    %dma_start3A_74 = tpu.memref_squeeze %dma_start3A_73 : memref<1x1x128x128xf32, #tpu.memory_space<hbm>> -> memref<128x128xf32, #tpu.memory_space<hbm>>
    tpu.enqueue_dma source(%arg8 : memref<128x128xf32, #tpu.memory_space<vmem>>) target(%dma_start3A_74 : memref<128x128xf32, #tpu.memory_space<hbm>>) target_semaphore(%arg20 : memref<!tpu.dma_semaphore, #tpu.memory_space<semaphore_mem>>)
    %dma_wait3A_75 = arith.constant 0 : i32
    %dma_wait3A_76 = tpu.memref_slice %arg7[%dma_wait3A_75] : memref<512xi32, #tpu.memory_space<vmem>> -> memref<128xi32, #tpu.memory_space<vmem>>
    %dma_wait3A_77 = arith.constant 0 : i32
    %dma_wait3A_78 = arith.constant 0 : i32
    %dma_wait3A_79 = tpu.memref_slice %arg4[%dma_wait3A_77, %dma_wait3A_78] : memref<8192x128xf32, #tpu.memory_space<hbm>> -> memref<8192x128xf32, #tpu.memory_space<hbm>>
    tpu.wait_indirect_dma semaphore(%arg17 : memref<!tpu.dma_semaphore, #tpu.memory_space<semaphore_mem>>) src(%dma_wait3A_79 : memref<8192x128xf32, #tpu.memory_space<hbm>>) dst(%arg11 : memref<128x128xf32, #tpu.memory_space<vmem>>)
    %dma_start3A_80 = arith.constant 0 : i32
    %dma_start3A_81 = arith.constant 0 : i32
    %dma_start3A_82 = tpu.memref_slice %arg6[%select_n3A, %dma_start3A_80, %add3A_63, %dma_start3A_81] : memref<2x1x8192x128xf32, #tpu.memory_space<hbm>> -> memref<1x1x128x128xf32, #tpu.memory_space<hbm>>
    %dma_start3A_83 = tpu.memref_squeeze %dma_start3A_82 : memref<1x1x128x128xf32, #tpu.memory_space<hbm>> -> memref<128x128xf32, #tpu.memory_space<hbm>>
    %dma_start3A_84 = arith.constant 0 : i32
    %dma_start3A_85 = tpu.memref_slice %arg6[%select_n3A, %dma_start3A_80, %add3A_63, %dma_start3A_84] : memref<2x1x8192x128xf32, #tpu.memory_space<hbm>> -> memref<1x1x128x128xf32, #tpu.memory_space<hbm>>
    %dma_start3A_86 = tpu.memref_squeeze %dma_start3A_85 : memref<1x1x128x128xf32, #tpu.memory_space<hbm>> -> memref<128x128xf32, #tpu.memory_space<hbm>>
    tpu.enqueue_dma source(%arg11 : memref<128x128xf32, #tpu.memory_space<vmem>>) target(%dma_start3A_86 : memref<128x128xf32, #tpu.memory_space<hbm>>) target_semaphore(%arg23 : memref<!tpu.dma_semaphore, #tpu.memory_space<semaphore_mem>>)
    %dma_wait3A_87 = arith.constant 0 : i32
    %dma_wait3A_88 = arith.constant 0 : i32
    %dma_wait3A_89 = tpu.memref_slice %arg5[%select_n3A, %dma_wait3A_87, %add3A_63, %dma_wait3A_88] : memref<2x1x8192x128xf32, #tpu.memory_space<hbm>> -> memref<1x1x128x128xf32, #tpu.memory_space<hbm>>
    %dma_wait3A_90 = tpu.memref_squeeze %dma_wait3A_89 : memref<1x1x128x128xf32, #tpu.memory_space<hbm>> -> memref<128x128xf32, #tpu.memory_space<hbm>>
    %dma_wait3A_91 = arith.constant 0 : i32
    %dma_wait3A_92 = tpu.memref_slice %arg5[%select_n3A, %dma_wait3A_87, %add3A_63, %dma_wait3A_91] : memref<2x1x8192x128xf32, #tpu.memory_space<hbm>> -> memref<1x1x128x128xf32, #tpu.memory_space<hbm>>
    %dma_wait3A_93 = tpu.memref_squeeze %dma_wait3A_92 : memref<1x1x128x128xf32, #tpu.memory_space<hbm>> -> memref<128x128xf32, #tpu.memory_space<hbm>>
    tpu.wait_dma2 semaphore(%arg20 : memref<!tpu.dma_semaphore, #tpu.memory_space<semaphore_mem>>) src(%arg8 : memref<128x128xf32, #tpu.memory_space<vmem>>) dst(%dma_wait3A_93 : memref<128x128xf32, #tpu.memory_space<hbm>>)
    %dma_wait3A_94 = arith.constant 0 : i32
    %dma_wait3A_95 = arith.constant 0 : i32
    %dma_wait3A_96 = tpu.memref_slice %arg6[%select_n3A, %dma_wait3A_94, %add3A_63, %dma_wait3A_95] : memref<2x1x8192x128xf32, #tpu.memory_space<hbm>> -> memref<1x1x128x128xf32, #tpu.memory_space<hbm>>
    %dma_wait3A_97 = tpu.memref_squeeze %dma_wait3A_96 : memref<1x1x128x128xf32, #tpu.memory_space<hbm>> -> memref<128x128xf32, #tpu.memory_space<hbm>>
    %dma_wait3A_98 = arith.constant 0 : i32
    %dma_wait3A_99 = tpu.memref_slice %arg6[%select_n3A, %dma_wait3A_94, %add3A_63, %dma_wait3A_98] : memref<2x1x8192x128xf32, #tpu.memory_space<hbm>> -> memref<1x1x128x128xf32, #tpu.memory_space<hbm>>
    %dma_wait3A_100 = tpu.memref_squeeze %dma_wait3A_99 : memref<1x1x128x128xf32, #tpu.memory_space<hbm>> -> memref<128x128xf32, #tpu.memory_space<hbm>>
    tpu.wait_dma2 semaphore(%arg23 : memref<!tpu.dma_semaphore, #tpu.memory_space<semaphore_mem>>) src(%arg11 : memref<128x128xf32, #tpu.memory_space<vmem>>) dst(%dma_wait3A_100 : memref<128x128xf32, #tpu.memory_space<hbm>>)
    %dma_start3A_101 = arith.constant 384 : i32
    %dma_start3A_102 = tpu.memref_slice %arg7[%dma_start3A_101] : memref<512xi32, #tpu.memory_space<vmem>> -> memref<128xi32, #tpu.memory_space<vmem>>
    %dma_start3A_103 = arith.constant 0 : i32
    %dma_start3A_104 = arith.constant 0 : i32
    %dma_start3A_105 = tpu.memref_slice %arg3[%dma_start3A_103, %dma_start3A_104] : memref<8192x128xf32, #tpu.memory_space<hbm>> -> memref<8192x128xf32, #tpu.memory_space<hbm>>
    tpu.enqueue_indirect_dma source(%dma_start3A_105 : memref<8192x128xf32, #tpu.memory_space<hbm>>) target(%arg8 : memref<128x128xf32, #tpu.memory_space<vmem>>) offsets(%dma_start3A_102 : memref<128xi32, #tpu.memory_space<vmem>>) semaphore(%arg14 : memref<!tpu.dma_semaphore, #tpu.memory_space<semaphore_mem>>)
    %dma_start3A_106 = arith.constant 384 : i32
    %dma_start3A_107 = tpu.memref_slice %arg7[%dma_start3A_106] : memref<512xi32, #tpu.memory_space<vmem>> -> memref<128xi32, #tpu.memory_space<vmem>>
    %dma_start3A_108 = arith.constant 0 : i32
    %dma_start3A_109 = arith.constant 0 : i32
    %dma_start3A_110 = tpu.memref_slice %arg4[%dma_start3A_108, %dma_start3A_109] : memref<8192x128xf32, #tpu.memory_space<hbm>> -> memref<8192x128xf32, #tpu.memory_space<hbm>>
    tpu.enqueue_indirect_dma source(%dma_start3A_110 : memref<8192x128xf32, #tpu.memory_space<hbm>>) target(%arg11 : memref<128x128xf32, #tpu.memory_space<vmem>>) offsets(%dma_start3A_107 : memref<128xi32, #tpu.memory_space<vmem>>) semaphore(%arg17 : memref<!tpu.dma_semaphore, #tpu.memory_space<semaphore_mem>>)
    %add3A_111 = arith.constant 128 : i32
    %add3A_112 = arith.addi %mul3A_32, %add3A_111 : i32
    %dma_wait3A_113 = arith.constant 128 : i32
    %dma_wait3A_114 = tpu.memref_slice %arg7[%dma_wait3A_113] : memref<512xi32, #tpu.memory_space<vmem>> -> memref<128xi32, #tpu.memory_space<vmem>>
    %dma_wait3A_115 = arith.constant 0 : i32
    %dma_wait3A_116 = arith.constant 0 : i32
    %dma_wait3A_117 = tpu.memref_slice %arg3[%dma_wait3A_115, %dma_wait3A_116] : memref<8192x128xf32, #tpu.memory_space<hbm>> -> memref<8192x128xf32, #tpu.memory_space<hbm>>
    tpu.wait_indirect_dma semaphore(%arg15 : memref<!tpu.dma_semaphore, #tpu.memory_space<semaphore_mem>>) src(%dma_wait3A_117 : memref<8192x128xf32, #tpu.memory_space<hbm>>) dst(%arg9 : memref<128x128xf32, #tpu.memory_space<vmem>>)
    %dma_start3A_118 = arith.constant 0 : i32
    %dma_start3A_119 = arith.constant 0 : i32
    %dma_start3A_120 = tpu.memref_slice %arg5[%select_n3A, %dma_start3A_118, %add3A_112, %dma_start3A_119] : memref<2x1x8192x128xf32, #tpu.memory_space<hbm>> -> memref<1x1x128x128xf32, #tpu.memory_space<hbm>>
    %dma_start3A_121 = tpu.memref_squeeze %dma_start3A_120 : memref<1x1x128x128xf32, #tpu.memory_space<hbm>> -> memref<128x128xf32, #tpu.memory_space<hbm>>
    %dma_start3A_122 = arith.constant 0 : i32
    %dma_start3A_123 = tpu.memref_slice %arg5[%select_n3A, %dma_start3A_118, %add3A_112, %dma_start3A_122] : memref<2x1x8192x128xf32, #tpu.memory_space<hbm>> -> memref<1x1x128x128xf32, #tpu.memory_space<hbm>>
    %dma_start3A_124 = tpu.memref_squeeze %dma_start3A_123 : memref<1x1x128x128xf32, #tpu.memory_space<hbm>> -> memref<128x128xf32, #tpu.memory_space<hbm>>
    tpu.enqueue_dma source(%arg9 : memref<128x128xf32, #tpu.memory_space<vmem>>) target(%dma_start3A_124 : memref<128x128xf32, #tpu.memory_space<hbm>>) target_semaphore(%arg21 : memref<!tpu.dma_semaphore, #tpu.memory_space<semaphore_mem>>)
    %dma_wait3A_125 = arith.constant 128 : i32
    %dma_wait3A_126 = tpu.memref_slice %arg7[%dma_wait3A_125] : memref<512xi32, #tpu.memory_space<vmem>> -> memref<128xi32, #tpu.memory_space<vmem>>
    %dma_wait3A_127 = arith.constant 0 : i32
    %dma_wait3A_128 = arith.constant 0 : i32
    %dma_wait3A_129 = tpu.memref_slice %arg4[%dma_wait3A_127, %dma_wait3A_128] : memref<8192x128xf32, #tpu.memory_space<hbm>> -> memref<8192x128xf32, #tpu.memory_space<hbm>>
    tpu.wait_indirect_dma semaphore(%arg18 : memref<!tpu.dma_semaphore, #tpu.memory_space<semaphore_mem>>) src(%dma_wait3A_129 : memref<8192x128xf32, #tpu.memory_space<hbm>>) dst(%arg12 : memref<128x128xf32, #tpu.memory_space<vmem>>)
    %dma_start3A_130 = arith.constant 0 : i32
    %dma_start3A_131 = arith.constant 0 : i32
    %dma_start3A_132 = tpu.memref_slice %arg6[%select_n3A, %dma_start3A_130, %add3A_112, %dma_start3A_131] : memref<2x1x8192x128xf32, #tpu.memory_space<hbm>> -> memref<1x1x128x128xf32, #tpu.memory_space<hbm>>
    %dma_start3A_133 = tpu.memref_squeeze %dma_start3A_132 : memref<1x1x128x128xf32, #tpu.memory_space<hbm>> -> memref<128x128xf32, #tpu.memory_space<hbm>>
    %dma_start3A_134 = arith.constant 0 : i32
    %dma_start3A_135 = tpu.memref_slice %arg6[%select_n3A, %dma_start3A_130, %add3A_112, %dma_start3A_134] : memref<2x1x8192x128xf32, #tpu.memory_space<hbm>> -> memref<1x1x128x128xf32, #tpu.memory_space<hbm>>
    %dma_start3A_136 = tpu.memref_squeeze %dma_start3A_135 : memref<1x1x128x128xf32, #tpu.memory_space<hbm>> -> memref<128x128xf32, #tpu.memory_space<hbm>>
    tpu.enqueue_dma source(%arg12 : memref<128x128xf32, #tpu.memory_space<vmem>>) target(%dma_start3A_136 : memref<128x128xf32, #tpu.memory_space<hbm>>) target_semaphore(%arg24 : memref<!tpu.dma_semaphore, #tpu.memory_space<semaphore_mem>>)
    %add3A_137 = arith.constant 256 : i32
    %add3A_138 = arith.addi %mul3A_32, %add3A_137 : i32
    %dma_wait3A_139 = arith.constant 256 : i32
    %dma_wait3A_140 = tpu.memref_slice %arg7[%dma_wait3A_139] : memref<512xi32, #tpu.memory_space<vmem>> -> memref<128xi32, #tpu.memory_space<vmem>>
    %dma_wait3A_141 = arith.constant 0 : i32
    %dma_wait3A_142 = arith.constant 0 : i32
    %dma_wait3A_143 = tpu.memref_slice %arg3[%dma_wait3A_141, %dma_wait3A_142] : memref<8192x128xf32, #tpu.memory_space<hbm>> -> memref<8192x128xf32, #tpu.memory_space<hbm>>
    tpu.wait_indirect_dma semaphore(%arg16 : memref<!tpu.dma_semaphore, #tpu.memory_space<semaphore_mem>>) src(%dma_wait3A_143 : memref<8192x128xf32, #tpu.memory_space<hbm>>) dst(%arg10 : memref<128x128xf32, #tpu.memory_space<vmem>>)
    %dma_start3A_144 = arith.constant 0 : i32
    %dma_start3A_145 = arith.constant 0 : i32
    %dma_start3A_146 = tpu.memref_slice %arg5[%select_n3A, %dma_start3A_144, %add3A_138, %dma_start3A_145] : memref<2x1x8192x128xf32, #tpu.memory_space<hbm>> -> memref<1x1x128x128xf32, #tpu.memory_space<hbm>>
    %dma_start3A_147 = tpu.memref_squeeze %dma_start3A_146 : memref<1x1x128x128xf32, #tpu.memory_space<hbm>> -> memref<128x128xf32, #tpu.memory_space<hbm>>
    %dma_start3A_148 = arith.constant 0 : i32
    %dma_start3A_149 = tpu.memref_slice %arg5[%select_n3A, %dma_start3A_144, %add3A_138, %dma_start3A_148] : memref<2x1x8192x128xf32, #tpu.memory_space<hbm>> -> memref<1x1x128x128xf32, #tpu.memory_space<hbm>>
    %dma_start3A_150 = tpu.memref_squeeze %dma_start3A_149 : memref<1x1x128x128xf32, #tpu.memory_space<hbm>> -> memref<128x128xf32, #tpu.memory_space<hbm>>
    tpu.enqueue_dma source(%arg10 : memref<128x128xf32, #tpu.memory_space<vmem>>) target(%dma_start3A_150 : memref<128x128xf32, #tpu.memory_space<hbm>>) target_semaphore(%arg22 : memref<!tpu.dma_semaphore, #tpu.memory_space<semaphore_mem>>)
    %dma_wait3A_151 = arith.constant 256 : i32
    %dma_wait3A_152 = tpu.memref_slice %arg7[%dma_wait3A_151] : memref<512xi32, #tpu.memory_space<vmem>> -> memref<128xi32, #tpu.memory_space<vmem>>
    %dma_wait3A_153 = arith.constant 0 : i32
    %dma_wait3A_154 = arith.constant 0 : i32
    %dma_wait3A_155 = tpu.memref_slice %arg4[%dma_wait3A_153, %dma_wait3A_154] : memref<8192x128xf32, #tpu.memory_space<hbm>> -> memref<8192x128xf32, #tpu.memory_space<hbm>>
    tpu.wait_indirect_dma semaphore(%arg19 : memref<!tpu.dma_semaphore, #tpu.memory_space<semaphore_mem>>) src(%dma_wait3A_155 : memref<8192x128xf32, #tpu.memory_space<hbm>>) dst(%arg13 : memref<128x128xf32, #tpu.memory_space<vmem>>)
    %dma_start3A_156 = arith.constant 0 : i32
    %dma_start3A_157 = arith.constant 0 : i32
    %dma_start3A_158 = tpu.memref_slice %arg6[%select_n3A, %dma_start3A_156, %add3A_138, %dma_start3A_157] : memref<2x1x8192x128xf32, #tpu.memory_space<hbm>> -> memref<1x1x128x128xf32, #tpu.memory_space<hbm>>
    %dma_start3A_159 = tpu.memref_squeeze %dma_start3A_158 : memref<1x1x128x128xf32, #tpu.memory_space<hbm>> -> memref<128x128xf32, #tpu.memory_space<hbm>>
    %dma_start3A_160 = arith.constant 0 : i32
    %dma_start3A_161 = tpu.memref_slice %arg6[%select_n3A, %dma_start3A_156, %add3A_138, %dma_start3A_160] : memref<2x1x8192x128xf32, #tpu.memory_space<hbm>> -> memref<1x1x128x128xf32, #tpu.memory_space<hbm>>
    %dma_start3A_162 = tpu.memref_squeeze %dma_start3A_161 : memref<1x1x128x128xf32, #tpu.memory_space<hbm>> -> memref<128x128xf32, #tpu.memory_space<hbm>>
    tpu.enqueue_dma source(%arg13 : memref<128x128xf32, #tpu.memory_space<vmem>>) target(%dma_start3A_162 : memref<128x128xf32, #tpu.memory_space<hbm>>) target_semaphore(%arg25 : memref<!tpu.dma_semaphore, #tpu.memory_space<semaphore_mem>>)
    %add3A_163 = arith.constant 384 : i32
    %add3A_164 = arith.addi %mul3A_32, %add3A_163 : i32
    %dma_wait3A_165 = arith.constant 384 : i32
    %dma_wait3A_166 = tpu.memref_slice %arg7[%dma_wait3A_165] : memref<512xi32, #tpu.memory_space<vmem>> -> memref<128xi32, #tpu.memory_space<vmem>>
    %dma_wait3A_167 = arith.constant 0 : i32
    %dma_wait3A_168 = arith.constant 0 : i32
    %dma_wait3A_169 = tpu.memref_slice %arg3[%dma_wait3A_167, %dma_wait3A_168] : memref<8192x128xf32, #tpu.memory_space<hbm>> -> memref<8192x128xf32, #tpu.memory_space<hbm>>
    tpu.wait_indirect_dma semaphore(%arg14 : memref<!tpu.dma_semaphore, #tpu.memory_space<semaphore_mem>>) src(%dma_wait3A_169 : memref<8192x128xf32, #tpu.memory_space<hbm>>) dst(%arg8 : memref<128x128xf32, #tpu.memory_space<vmem>>)
    %dma_start3A_170 = arith.constant 0 : i32
    %dma_start3A_171 = arith.constant 0 : i32
    %dma_start3A_172 = tpu.memref_slice %arg5[%select_n3A, %dma_start3A_170, %add3A_164, %dma_start3A_171] : memref<2x1x8192x128xf32, #tpu.memory_space<hbm>> -> memref<1x1x128x128xf32, #tpu.memory_space<hbm>>
    %dma_start3A_173 = tpu.memref_squeeze %dma_start3A_172 : memref<1x1x128x128xf32, #tpu.memory_space<hbm>> -> memref<128x128xf32, #tpu.memory_space<hbm>>
    %dma_start3A_174 = arith.constant 0 : i32
    %dma_start3A_175 = tpu.memref_slice %arg5[%select_n3A, %dma_start3A_170, %add3A_164, %dma_start3A_174] : memref<2x1x8192x128xf32, #tpu.memory_space<hbm>> -> memref<1x1x128x128xf32, #tpu.memory_space<hbm>>
    %dma_start3A_176 = tpu.memref_squeeze %dma_start3A_175 : memref<1x1x128x128xf32, #tpu.memory_space<hbm>> -> memref<128x128xf32, #tpu.memory_space<hbm>>
    tpu.enqueue_dma source(%arg8 : memref<128x128xf32, #tpu.memory_space<vmem>>) target(%dma_start3A_176 : memref<128x128xf32, #tpu.memory_space<hbm>>) target_semaphore(%arg20 : memref<!tpu.dma_semaphore, #tpu.memory_space<semaphore_mem>>)
    %dma_wait3A_177 = arith.constant 384 : i32
    %dma_wait3A_178 = tpu.memref_slice %arg7[%dma_wait3A_177] : memref<512xi32, #tpu.memory_space<vmem>> -> memref<128xi32, #tpu.memory_space<vmem>>
    %dma_wait3A_179 = arith.constant 0 : i32
    %dma_wait3A_180 = arith.constant 0 : i32
    %dma_wait3A_181 = tpu.memref_slice %arg4[%dma_wait3A_179, %dma_wait3A_180] : memref<8192x128xf32, #tpu.memory_space<hbm>> -> memref<8192x128xf32, #tpu.memory_space<hbm>>
    tpu.wait_indirect_dma semaphore(%arg17 : memref<!tpu.dma_semaphore, #tpu.memory_space<semaphore_mem>>) src(%dma_wait3A_181 : memref<8192x128xf32, #tpu.memory_space<hbm>>) dst(%arg11 : memref<128x128xf32, #tpu.memory_space<vmem>>)
    %dma_start3A_182 = arith.constant 0 : i32
    %dma_start3A_183 = arith.constant 0 : i32
    %dma_start3A_184 = tpu.memref_slice %arg6[%select_n3A, %dma_start3A_182, %add3A_164, %dma_start3A_183] : memref<2x1x8192x128xf32, #tpu.memory_space<hbm>> -> memref<1x1x128x128xf32, #tpu.memory_space<hbm>>
    %dma_start3A_185 = tpu.memref_squeeze %dma_start3A_184 : memref<1x1x128x128xf32, #tpu.memory_space<hbm>> -> memref<128x128xf32, #tpu.memory_space<hbm>>
    %dma_start3A_186 = arith.constant 0 : i32
    %dma_start3A_187 = tpu.memref_slice %arg6[%select_n3A, %dma_start3A_182, %add3A_164, %dma_start3A_186] : memref<2x1x8192x128xf32, #tpu.memory_space<hbm>> -> memref<1x1x128x128xf32, #tpu.memory_space<hbm>>
    %dma_start3A_188 = tpu.memref_squeeze %dma_start3A_187 : memref<1x1x128x128xf32, #tpu.memory_space<hbm>> -> memref<128x128xf32, #tpu.memory_space<hbm>>
    tpu.enqueue_dma source(%arg11 : memref<128x128xf32, #tpu.memory_space<vmem>>) target(%dma_start3A_188 : memref<128x128xf32, #tpu.memory_space<hbm>>) target_semaphore(%arg23 : memref<!tpu.dma_semaphore, #tpu.memory_space<semaphore_mem>>)
    %dma_wait3A_189 = arith.constant 0 : i32
    %dma_wait3A_190 = arith.constant 0 : i32
    %dma_wait3A_191 = tpu.memref_slice %arg5[%select_n3A, %dma_wait3A_189, %add3A_112, %dma_wait3A_190] : memref<2x1x8192x128xf32, #tpu.memory_space<hbm>> -> memref<1x1x128x128xf32, #tpu.memory_space<hbm>>
    %dma_wait3A_192 = tpu.memref_squeeze %dma_wait3A_191 : memref<1x1x128x128xf32, #tpu.memory_space<hbm>> -> memref<128x128xf32, #tpu.memory_space<hbm>>
    %dma_wait3A_193 = arith.constant 0 : i32
    %dma_wait3A_194 = tpu.memref_slice %arg5[%select_n3A, %dma_wait3A_189, %add3A_112, %dma_wait3A_193] : memref<2x1x8192x128xf32, #tpu.memory_space<hbm>> -> memref<1x1x128x128xf32, #tpu.memory_space<hbm>>
    %dma_wait3A_195 = tpu.memref_squeeze %dma_wait3A_194 : memref<1x1x128x128xf32, #tpu.memory_space<hbm>> -> memref<128x128xf32, #tpu.memory_space<hbm>>
    tpu.wait_dma2 semaphore(%arg21 : memref<!tpu.dma_semaphore, #tpu.memory_space<semaphore_mem>>) src(%arg9 : memref<128x128xf32, #tpu.memory_space<vmem>>) dst(%dma_wait3A_195 : memref<128x128xf32, #tpu.memory_space<hbm>>)
    %dma_wait3A_196 = arith.constant 0 : i32
    %dma_wait3A_197 = arith.constant 0 : i32
    %dma_wait3A_198 = tpu.memref_slice %arg6[%select_n3A, %dma_wait3A_196, %add3A_112, %dma_wait3A_197] : memref<2x1x8192x128xf32, #tpu.memory_space<hbm>> -> memref<1x1x128x128xf32, #tpu.memory_space<hbm>>
    %dma_wait3A_199 = tpu.memref_squeeze %dma_wait3A_198 : memref<1x1x128x128xf32, #tpu.memory_space<hbm>> -> memref<128x128xf32, #tpu.memory_space<hbm>>
    %dma_wait3A_200 = arith.constant 0 : i32
    %dma_wait3A_201 = tpu.memref_slice %arg6[%select_n3A, %dma_wait3A_196, %add3A_112, %dma_wait3A_200] : memref<2x1x8192x128xf32, #tpu.memory_space<hbm>> -> memref<1x1x128x128xf32, #tpu.memory_space<hbm>>
    %dma_wait3A_202 = tpu.memref_squeeze %dma_wait3A_201 : memref<1x1x128x128xf32, #tpu.memory_space<hbm>> -> memref<128x128xf32, #tpu.memory_space<hbm>>
    tpu.wait_dma2 semaphore(%arg24 : memref<!tpu.dma_semaphore, #tpu.memory_space<semaphore_mem>>) src(%arg12 : memref<128x128xf32, #tpu.memory_space<vmem>>) dst(%dma_wait3A_202 : memref<128x128xf32, #tpu.memory_space<hbm>>)
    %dma_wait3A_203 = arith.constant 0 : i32
    %dma_wait3A_204 = arith.constant 0 : i32
    %dma_wait3A_205 = tpu.memref_slice %arg5[%select_n3A, %dma_wait3A_203, %add3A_138, %dma_wait3A_204] : memref<2x1x8192x128xf32, #tpu.memory_space<hbm>> -> memref<1x1x128x128xf32, #tpu.memory_space<hbm>>
    %dma_wait3A_206 = tpu.memref_squeeze %dma_wait3A_205 : memref<1x1x128x128xf32, #tpu.memory_space<hbm>> -> memref<128x128xf32, #tpu.memory_space<hbm>>
    %dma_wait3A_207 = arith.constant 0 : i32
    %dma_wait3A_208 = tpu.memref_slice %arg5[%select_n3A, %dma_wait3A_203, %add3A_138, %dma_wait3A_207] : memref<2x1x8192x128xf32, #tpu.memory_space<hbm>> -> memref<1x1x128x128xf32, #tpu.memory_space<hbm>>
    %dma_wait3A_209 = tpu.memref_squeeze %dma_wait3A_208 : memref<1x1x128x128xf32, #tpu.memory_space<hbm>> -> memref<128x128xf32, #tpu.memory_space<hbm>>
    tpu.wait_dma2 semaphore(%arg22 : memref<!tpu.dma_semaphore, #tpu.memory_space<semaphore_mem>>) src(%arg10 : memref<128x128xf32, #tpu.memory_space<vmem>>) dst(%dma_wait3A_209 : memref<128x128xf32, #tpu.memory_space<hbm>>)
    %dma_wait3A_210 = arith.constant 0 : i32
    %dma_wait3A_211 = arith.constant 0 : i32
    %dma_wait3A_212 = tpu.memref_slice %arg6[%select_n3A, %dma_wait3A_210, %add3A_138, %dma_wait3A_211] : memref<2x1x8192x128xf32, #tpu.memory_space<hbm>> -> memref<1x1x128x128xf32, #tpu.memory_space<hbm>>
    %dma_wait3A_213 = tpu.memref_squeeze %dma_wait3A_212 : memref<1x1x128x128xf32, #tpu.memory_space<hbm>> -> memref<128x128xf32, #tpu.memory_space<hbm>>
    %dma_wait3A_214 = arith.constant 0 : i32
    %dma_wait3A_215 = tpu.memref_slice %arg6[%select_n3A, %dma_wait3A_210, %add3A_138, %dma_wait3A_214] : memref<2x1x8192x128xf32, #tpu.memory_space<hbm>> -> memref<1x1x128x128xf32, #tpu.memory_space<hbm>>
    %dma_wait3A_216 = tpu.memref_squeeze %dma_wait3A_215 : memref<1x1x128x128xf32, #tpu.memory_space<hbm>> -> memref<128x128xf32, #tpu.memory_space<hbm>>
    tpu.wait_dma2 semaphore(%arg25 : memref<!tpu.dma_semaphore, #tpu.memory_space<semaphore_mem>>) src(%arg13 : memref<128x128xf32, #tpu.memory_space<vmem>>) dst(%dma_wait3A_216 : memref<128x128xf32, #tpu.memory_space<hbm>>)
    %dma_wait3A_217 = arith.constant 0 : i32
    %dma_wait3A_218 = arith.constant 0 : i32
    %dma_wait3A_219 = tpu.memref_slice %arg5[%select_n3A, %dma_wait3A_217, %add3A_164, %dma_wait3A_218] : memref<2x1x8192x128xf32, #tpu.memory_space<hbm>> -> memref<1x1x128x128xf32, #tpu.memory_space<hbm>>
    %dma_wait3A_220 = tpu.memref_squeeze %dma_wait3A_219 : memref<1x1x128x128xf32, #tpu.memory_space<hbm>> -> memref<128x128xf32, #tpu.memory_space<hbm>>
    %dma_wait3A_221 = arith.constant 0 : i32
    %dma_wait3A_222 = tpu.memref_slice %arg5[%select_n3A, %dma_wait3A_217, %add3A_164, %dma_wait3A_221] : memref<2x1x8192x128xf32, #tpu.memory_space<hbm>> -> memref<1x1x128x128xf32, #tpu.memory_space<hbm>>
    %dma_wait3A_223 = tpu.memref_squeeze %dma_wait3A_222 : memref<1x1x128x128xf32, #tpu.memory_space<hbm>> -> memref<128x128xf32, #tpu.memory_space<hbm>>
    tpu.wait_dma2 semaphore(%arg20 : memref<!tpu.dma_semaphore, #tpu.memory_space<semaphore_mem>>) src(%arg8 : memref<128x128xf32, #tpu.memory_space<vmem>>) dst(%dma_wait3A_223 : memref<128x128xf32, #tpu.memory_space<hbm>>)
    %dma_wait3A_224 = arith.constant 0 : i32
    %dma_wait3A_225 = arith.constant 0 : i32
    %dma_wait3A_226 = tpu.memref_slice %arg6[%select_n3A, %dma_wait3A_224, %add3A_164, %dma_wait3A_225] : memref<2x1x8192x128xf32, #tpu.memory_space<hbm>> -> memref<1x1x128x128xf32, #tpu.memory_space<hbm>>
    %dma_wait3A_227 = tpu.memref_squeeze %dma_wait3A_226 : memref<1x1x128x128xf32, #tpu.memory_space<hbm>> -> memref<128x128xf32, #tpu.memory_space<hbm>>
    %dma_wait3A_228 = arith.constant 0 : i32
    %dma_wait3A_229 = tpu.memref_slice %arg6[%select_n3A, %dma_wait3A_224, %add3A_164, %dma_wait3A_228] : memref<2x1x8192x128xf32, #tpu.memory_space<hbm>> -> memref<1x1x128x128xf32, #tpu.memory_space<hbm>>
    %dma_wait3A_230 = tpu.memref_squeeze %dma_wait3A_229 : memref<1x1x128x128xf32, #tpu.memory_space<hbm>> -> memref<128x128xf32, #tpu.memory_space<hbm>>
    tpu.wait_dma2 semaphore(%arg23 : memref<!tpu.dma_semaphore, #tpu.memory_space<semaphore_mem>>) src(%arg11 : memref<128x128xf32, #tpu.memory_space<vmem>>) dst(%dma_wait3A_230 : memref<128x128xf32, #tpu.memory_space<hbm>>)
    return
  }
}

</mosaic_0001>

<sc_bundles>
// kernel: _gather_pairs.3.cloned.1.call-start
scs
__scs_entry_jumppad:
0x0: {  	(pc) =	sbr.rel $0x88, $3  }
0x1: {  	(tag) =	ssettag $0x0;
	lr =	simm.s32 $0x1  }
0x2: {  	[smem:$0x3F9E] =	sst lr;
	_ =	strace $0xD0000000  }
0x3: {  	_ = 	snop  }
0x4: {  	_ = 	snop  }
0x5: {  	_ = 	snop  }
0x6: {  	_ = 	snop  }
0x7: {  	_ = 	snop  }
__scs_overlays_trampoline_lowered:
0x8: {  	[smem:$0x3FAD] =	sst s0  }
0x9: {  	[smem:$0x3FAE] =	sst s1  }
0xa: {  	[smem:$0x3FAF] =	sst s2  }
0xb: {  	[smem:$0x3FB0] =	sst s3  }
0xc: {  	[smem:$0x3FB1] =	sst s4  }
0xd: {  	[smem:$0x3FB2] =	sst s5  }
0xe: {  	[smem:$0x3FB3] =	sst s6  }
0xf: {  	[smem:$0x3FB4] =	sst s7  }
0x10: {  	[smem:$0x3FB5] =	sst s8  }
0x11: {  	[smem:$0x3FB6] =	sst s9;
	s0 =	simm.s32 @!p0 $0x0  }
0x12: {  	s1 =	sld [smem:$0x3F9C];
	s0 =	simm.s32 @p0 $0x1  }
0x13: {  	[smem:$0x3FB7] =	sst s0;
	s0 =	simm.s32 @!p1 $0x0  }
0x14: {  	s2 =	sld [smem:$0x3F9B];
	s0 =	simm.s32 @p1 $0x1  }
0x15: {  	[smem:$0x3FB8] =	sst s0;
	s0 =	simm.s32 @!p2 $0x0  }
0x16: {  	s3 =	sld [smem:$0x3FDB];
	s0 =	simm.s32 @p2 $0x1  }
0x17: {  	s4 =	simm.s32 $0x1BF5;
	[smem:$0x3FBA] =	sst s0  }
0x18: {  	s0 =	sld [smem:$0x3F9D];
	_ =	swait.ge [sflag:s4], $0x0  }
0x19: {  	s7 =	sld [smem:$0x3F9E]  }
0x1a: {  	s8 =	sadd.s32 $0xFFFFE003, lr  }
0x1b: {  	s9 =	sadd.s32 $0xFFFFFEF7, lr;
	s5 =	simm.s32 $0xFFFFFFFF;
	p2 =	slt.u32 s8, $0xFFFFF086  }
0x1c: {  	p1 =	slt.u32 s9, $0xF7A;
	s5 =	simm.s32 @!p2 $0x0  }
0x1d: {  	s5 =	simm.s32 @p1 $0x1;
	p0 =	seq.s32 s7, s2  }
0x1e: {  	s7 =	smul.u32 @!p0 $0xF7A, s2;
	p2 =	seq.s32 @!p0 s5, $0x0  }
0x1f: {  	s9 =	smul.u32 $0xF7A, s1;
	s8 =	simm.s32 @!p0 $0x1BF5;
	p2 =	por !p2, p0  }
0x20: {  	[sflag:s8] =	ssyncset.s32 @!p0 $0xFFFFF086;
	s6 =	sadd.s32 @!p0 s3, s7;
	s7 =	simm.s32 @!p0 $0x108  }
0x21: {  	s3 =	sadd.s32 s3, s9;
	s6 =	sadd.s32 @!p0 $0x88, s6;
	s7 =	simm.s32 @p2 $0x1082  }
0x22: {  	[simem:s7], [sflag:s8] =	dma.local @!p0 [hbm:s6], $0xF7A  }
0x23: {  	s9 =	sor.u32 $0xD0000000, s2;
	s6 =	simm.s32 $0x108;
	_ =	swait.ge @!p0 [sflag:s8], $0x0  }
0x24: {  	s3 =	sadd.s32 $0x88, s3;
	s6 =	simm.s32 @!p1 $0x1082;
	[sflag:s4] =	ssyncset.s32 $0xFFFFF086  }
0x25: {  	[simem:s6], [sflag:s4] =	dma.local [hbm:s3], $0xF7A  }
0x26: {  	[smem:$0x3F9E] =	sst s1;
	(tag) =	ssettag s2;
	_ =	strace s9  }
0x27: {  	s1 =	sld [smem:$0x3FAE]  }
0x28: {  	s2 =	sld [smem:$0x3FAF]  }
0x29: {  	s4 =	sld [smem:$0x3FB1]  }
0x2a: {  	p0 =	seq.s32 s5, $0x0;
	s5 =	sld [smem:$0x3FB2]  }
0x2b: {  	s6 =	sld [smem:$0x3FB3]  }
0x2c: {  	s7 =	sld [smem:$0x3FB4]  }
0x2d: {  	s3 =	simm.s32 $0x108;
	s8 =	sld [smem:$0x3FB5]  }
0x2e: {  	s3 =	simm.s32 @!p0 $0x1082;
	s9 =	sld [smem:$0x3FB6]  }
0x2f: {  	lr =	sadd.s32 s0, s3;
	s0 =	sld [smem:$0x3FAD]  }
0x30: {  	s3 =	sld [smem:$0x3FB0]  }
0x31: {  	[smem:$0x3FB9] =	sst s10  }
0x32: {  	s10 =	sld [smem:$0x3FB7];
	_ =	sdelay $0x3  }
0x33: {  	p0 =	seq.s32 s10, $0x1;
	s10 =	sld [smem:$0x3FB9];
	_ =	sdelay $0x3  }
0x34: {  	[smem:$0x3FB9] =	sst s10  }
0x35: {  	s10 =	sld [smem:$0x3FB8];
	_ =	sdelay $0x3  }
0x36: {  	p1 =	seq.s32 s10, $0x1;
	s10 =	sld [smem:$0x3FB9];
	_ =	sdelay $0x3  }
0x37: {  	[smem:$0x3FB9] =	sst s10  }
0x38: {  	s10 =	sld [smem:$0x3FBA]  }
0x39: {  	_ = 	snop;
	(pc) =	sbr.ind lr, $3  }
0x3a: {  	_ = 	snop  }
0x3b: {  	_ = 	snop  }
0x3c: {  	p2 =	seq.s32 s10, $0x1;
	s10 =	sld [smem:$0x3FB9]  }
0x3d: {  	_ =	shalt  }
0x3e: {  	_ =	shalt  }
0x3f: {  	_ =	shalt  }
0x40: {  	_ =	shalt  }
0x41: {  	_ =	shalt  }
0x42: {  	_ =	shalt  }
0x43: {  	_ =	shalt  }
0x44: {  	_ =	shalt  }
0x45: {  	_ =	shalt  }
0x46: {  	_ =	shalt  }
0x47: {  	_ =	shalt  }
0x48: {  	_ =	shalt  }
0x49: {  	_ =	shalt  }
0x4a: {  	_ =	shalt  }
0x4b: {  	_ =	shalt  }
0x4c: {  	_ =	shalt  }
0x4d: {  	_ =	shalt  }
0x4e: {  	_ =	shalt  }
0x4f: {  	_ =	shalt  }
0x50: {  	_ =	shalt  }
0x51: {  	_ =	shalt  }
0x52: {  	_ =	shalt  }
0x53: {  	_ =	shalt  }
0x54: {  	_ =	shalt  }
0x55: {  	_ =	shalt  }
0x56: {  	_ =	shalt  }
0x57: {  	_ =	shalt  }
0x58: {  	_ =	shalt  }
0x59: {  	_ =	shalt  }
0x5a: {  	_ =	shalt  }
0x5b: {  	_ =	shalt  }
0x5c: {  	_ =	shalt  }
0x5d: {  	_ =	shalt  }
0x5e: {  	_ =	shalt  }
0x5f: {  	_ =	shalt  }
0x60: {  	_ =	shalt  }
0x61: {  	_ =	shalt  }
0x62: {  	_ =	shalt  }
0x63: {  	_ =	shalt  }
0x64: {  	_ =	shalt  }
0x65: {  	_ =	shalt  }
0x66: {  	_ =	shalt  }
0x67: {  	_ =	shalt  }
0x68: {  	_ =	shalt  }
0x69: {  	_ =	shalt  }
0x6a: {  	_ =	shalt  }
0x6b: {  	_ =	shalt  }
0x6c: {  	_ =	shalt  }
0x6d: {  	_ =	shalt  }
0x6e: {  	_ =	shalt  }
0x6f: {  	_ =	shalt  }
0x70: {  	_ =	shalt  }
0x71: {  	_ =	shalt  }
0x72: {  	_ =	shalt  }
0x73: {  	_ =	shalt  }
0x74: {  	_ =	shalt  }
0x75: {  	_ =	shalt  }
0x76: {  	_ =	shalt  }
0x77: {  	_ =	shalt  }
0x78: {  	_ =	shalt  }
0x79: {  	_ =	shalt  }
0x7a: {  	_ =	shalt  }
0x7b: {  	_ =	shalt  }
0x7c: {  	_ =	shalt  }
0x7d: {  	_ =	shalt  }
0x7e: {  	_ =	shalt  }
0x7f: {  	_ =	shalt  }
0x80: {  	_ =	shalt  }
0x81: {  	_ =	shalt  }
0x82: {  	_ =	shalt  }
0x83: {  	_ =	shalt  }
0x84: {  	_ =	shalt  }
0x85: {  	_ =	shalt  }
0x86: {  	_ =	shalt  }
0x87: {  	_ =	shalt  }
.Lfunc_end0:
.L_simem_size_0:
called_computation_lowered:
.L_overlay_start_0:
0x88: {  	s2 =	sld [smem:$0x3FD9]  }
0x89: {  	s3 =	sld [smem:$0x3FFE];
	_ =	sdelay $0x1  }
0x8a: {  	s1 =	srdreg.scid  }
0x8b: {  	s0 =	sand.u32 $0x1, s1  }
0x8c: {  	s15 =	sshll.u32 s0, $0xA;
	s2 =	sadd.s32 s3, s2  }
0x8d: {  	s2 =	sadd.s32 s2, s15  }
0x8e: {  	[smem:$0x3FC5] =	sst s2  }
0x8f: {  	_ = 	snop  }
0x90: {  	s2 =	sld [smem:$0x3FD0]  }
0x91: {  	s16 =	sld [smem:$0x3FC9]  }
0x92: {  	s4 =	sld [smem:$0x3FC8]  }
0x93: {  	s6 =	simm.s32 $0xA;
	s7 =	simm.s32 $0x10;
	s5 =	sld [smem:$0x3FC7]  }
0x94: {  	[smem:s7], [sflag:s6] =	dma.local [hbm:s2], $0x1  }
0x95: {  	_ =	swait.eq [sflag:s6], $0x1  }
0x96: {  	[sflag:s6] =	ssyncset.done $0x0  }
0x97: {  	s17 =	sld [smem:$0x10];
	[sflag:s6] =	ssyncadd.s32 $0xFFFFFFFF  }
0x98: {  	s18 =	sld [smem:$0x11];
	(tm) =	ssettm $0x1  }
0x99: {  	s19 =	sld [smem:$0x3FFB];
	_ =	sdelay $0x3  }
0x9a: {  	_ =	strace s19  }
0x9b: {  	s7 =	sld [smem:$0x3FFC];
	_ =	sdelay $0x3  }
0x9c: {  	_ =	strace s7  }
0x9d: {  	s7 =	sld [smem:$0x3FFD];
	_ =	sdelay $0x3  }
0x9e: {  	_ =	strace s7  }
0x9f: {  	_ =	strace $0x8FFFFFFF  }
0xa0: {  	s20 =	sld [smem:$0x3FDB];
	_ =	sdelay $0x1  }
0xa1: {  	s8 =	simm.s32 $_scs_section_size  }
0xa2: {  	s9 =	simm.s32 $_size__tile_overlayer_lowered;
	s10 =	simm.s32 $_tile_overlayer_lowered  }
0xa3: {  	s23 =	simm.s32 $0x1BFF;
	s22 =	sshll.u32 s10, $0x1;
	s7 =	sadd.s32 s8, s20  }
0xa4: {  	s11 =	simm.s32 $0x0;
	s21 =	sshll.u32 s9, $0x1;
	s9 =	sadd.s32 s22, s7  }
0xa5: {  	[timem:s11], [sflag:s23] =	dma.local [hbm:s9], s21  }
0xa6: {  	_ =	swait.ge [sflag:s23], s21  }
0xa7: {  	s8 =	ssub.s32 $0x0, s21;
	[sflag:s23] =	ssyncset.done $0x0  }
0xa8: {  	[sflag:s23] =	ssyncadd.s32 s8;
	_ =	sdelay $0x1  }
0xa9: {  	s24 =	simm.s32 $0x1B8B  }
0xaa: {  	_ =	swait.ge [sflag:s24], $0x1  }
0xab: {  	[sflag:s24] =	ssyncset.done $0x0  }
0xac: {  	s25 =	simm.s32 $0x1B8E;
	[sflag:s24] =	ssyncadd.s32 $0xFFFFFFFF  }
0xad: {  	s26 =	simm.s32 $execute0_lowered;
	[smem:$0x3FD2] =	sst s25  }
0xae: {  	s8 =	sshll.u32 s26, $0x1;
	_ =	strace $0x80000046;
	[dreg:$0x1] =	wrdreg $0xFFFFFFFF  }
0xaf: {  	s28 =	simm.s32 $_size_execute0_lowered;
	s7 =	sadd.s32 s7, s8;
	[dreg:$0x0] =	wrdreg $0x0  }
0xb0: {  	s8 =	sshll.u32 s28, $0x1;
	[dreg:$0x2] =	wrdreg s7  }
0xb1: {  	[dreg:$0x3] =	wrdreg s8  }
0xb2: {  	[dreg:$0x4] =	wrdreg $0xC0  }
0xb3: {  	_ =	task [dreg:s11], $0x5FFFF  }
0xb4: {  	[dreg:$0x1] =	wrdreg $0xFFFFFFFF  }
0xb5: {  	[dreg:$0x0] =	wrdreg $0x60  }
0xb6: {  	[dreg:$0x2] =	wrdreg s16  }
0xb7: {  	[dreg:$0x3] =	wrdreg s4  }
0xb8: {  	[dreg:$0x4] =	wrdreg s5  }
0xb9: {  	[dreg:$0x5] =	wrdreg s17  }
0xba: {  	[dreg:$0x6] =	wrdreg s18  }
0xbb: {  	[dreg:$0x7] =	wrdreg $0x9  }
0xbc: {  	_ =	task.clear_ibuf [dreg:s11], $0x8FFFF;
	_ =	strace $0x90000046  }
0xbd: {  	s29 =	simm.s32 $0x9;
	_ =	strace $0x80000048  }
0xbe: {  	_ =	swait.ge [sflag:s29], $0x1  }
0xbf: {  	[sflag:s29] =	ssyncadd.s32 $0xFFFFFFFF  }
0xc0: {  	_ =	strace $0x90000048  }
0xc1: {  	_ =	sfence  }
0xc2: {  	s30 =	sld [smem:$0x0];
	_ =	sdelay $0x2  }
0xc3: {  	s31 =	sshll.u32 s1, $0xD;
	s1 =	sshrl.u32 s1, $0x2  }
0xc4: {  	s3 =	sand.u32 $0x4000, s31;
	s1 =	sadd.s32 s1, s30  }
0xc5: {  	s0 =	sor.u32 s3, s0;
	s1 =	sshll.u32 s1, $0x11  }
0xc6: {  	s0 =	sor.u32 s1, s0  }
0xc7: {  	s0 =	sadd.s32 $0x8F2B, s0  }
0xc8: {  	[sflag:s0] =	ssyncadd.remote.s32 $0x1  }
0xc9: {  	_ =	sfence.sel $0xFFFF  }
0xca: {  	[dreg:$0x0] =	wrdreg $0xFFFFFFFF;
	(pc) =	sbr.abs _section_cstart, $3  }
0xcb: {  	[dreg:$0x1] =	wrdreg $0xFFFFFFFF  }
0xcc: {  	_ =	task.clear_ibuf [dreg:s11], $0x2FFFF;
	_ =	strace $0x9FFFFFFF  }
0xcd: {  	(tm) =	ssettm $0x7FFFFFFF  }
tec
execute0_lowered:
.L_overlay_start_1:
0x0: {  	(tag) =	ssettag $0x1  }
0x1: {  	s0 =	rddreg [dreg:$0x0]  }
0x2: {  	s3 =	rddreg [dreg:$0x1]  }
0x3: {  	s4 =	rddreg [dreg:$0x2]  }
0x4: {  	s1 =	rddreg [dreg:$0x3]  }
0x5: {  	s5 =	rddreg [dreg:$0x4];
	s8 =	stileid.u32  }
0x6: {  	s6 =	srdreg.scid;
	s2 =	simm.s32 $0x0;
	s30 =	simm.s32 $0x100  }
0x7: {  	s31 =	simm.s32 $0xD;
	s12 =	simm.s32 $0x200;
	s17 =	simm.s32 $0x14200  }
0x8: {  	s15 =	simm.s32 $0x1;
	s13 =	simm.s32 $0x4;
	s29 =	simm.s32 $0x180  }
0x9: {  	s28 =	simm.s32 $0x2;
	p0 =	por $0x0, $0x0;
	s16 =	simm.s32 $0x9  }
0xa: {  	s14 =	simm.s32 $0xC;
	s7 =	sshll.u32 s8, $0x1;
	s6 =	sand.u32 $0x1, s6  }
0xb: {  	[smem:$0x7FF] =	sst s2;
	s8 =	sshrl.u32 s8, $0x3;
	s7 =	sand.u32 $0xE, s7  }
0xc: {  	_ =	strace $0x80000047;
	s10 =	sshll.u32 s8, $0x4;
	s8 =	sshll.u32 s8, $0x11  }
0xd: {  	s7 =	sor.u32 s6, s7;
	s0 =	sadd.s32 s0, s10;
	s6 =	ssub.s32 $0x2, s6  }
0xe: {  	s10 =	simm.s32 $0xC200;
	s9 =	sshll.u32 s7, $0xD;
	s7 =	sshll.u32 s7, $0x7  }
0xf: {  	s19 =	sshrl.u32 s6, $0x1;
	s0 =	sadd.s32 s7, s0;
	s18 =	sor.u32 s8, s9  }
0x10: {  	s6 =	ssub.s32 s6, s19;
	s19 =	simm.s32 $0x8;
	[dreg:$0x6] =	wrdreg s0  }
0x11: {  	s20 =	sadd.s32 s1, s18;
	s21 =	sadd.s32 s5, s18;
	s9 =	sor.u32 $0x800, s18  }
0x12: {  	s24 =	sor.u32 $0x1000, s18;
	s25 =	sor.u32 $0x1800, s18;
	s26 =	smax.u32 s6, $0x1  }
0x13: {  	s6 =	simm.s32 $0x7;
	s18 =	simm.s32 $0xB;
	[dreg:$0x7] =	wrdreg s20  }
0x14: {  	[dreg:$0x8] =	wrdreg s21;
	s22 =	sadd.s32 s1, s9;
	s23 =	sadd.s32 s5, s9  }
0x15: {  	s11 =	sadd.s32 s1, s24;
	s9 =	sadd.s32 s5, s24;
	p1 =	sne.s32 s26, $0x1  }
.Ltmp0:
0x16: {  	s8 =	sadd.s32 s1, s25;
	s7 =	sadd.s32 s5, s25;
	(pc) =	sbr.rel @!p1 .LBB2_3-.Ltmp0, $4  }
0x17: {  	s21 =	simm.s32 $0x10200;
	s20 =	simm.s32 $0x8200;
	s5 =	simm.s32 $0xA  }
0x18: {  	s25 =	simm.s32 $0x5;
	s0 =	sadd.s32 $0xFFFFFFFF, s26;
	s1 =	rddreg [dreg:$0x6]  }
0x19: {  	s26 =	simm.s32 $0x3;
	s24 =	simm.s32 $0x6;
	[dreg:$0x9] =	wrdreg s22  }
0x1a: {  	[dreg:$0xa] =	wrdreg s23;
	s22 =	simm.s32 $0x80;
	s23 =	simm.s32 $0x4200  }
0x1b: {  	[tilespmem:s2], [sflag:$0xD] =	stream.strided.gather [hbm4b:s1+s22], $0x200, s30, s22, $0x38;
	[tilespmem:$0x18200] =	vst v63  }
0x1c: {  	_ =	swait.ge [sflag:s31], $0x200  }
0x1d: {  	[sflag:s31] =	ssyncset.done $0x0  }
0x1e: {  	[sflag:s31] =	ssyncadd.s32 $0xFFFFFE00  }
0x1f: {  	[tilespmem:s12], [sflag:$0x1] =	stream.indirect.gather [hbm4b:s3+s22], $0x80, s2, s22, $0xb8;
	[tilespmem:$0x18200] =	vst v63  }
0x20: {  	_ = 	snop  }
0x21: {  	[tilespmem:s10], [sflag:$0x4] =	stream.indirect.gather [hbm4b:s4+s22], $0x80, s2, s22, $0xb8;
	[tilespmem:$0x18200] =	vst v63  }
0x22: {  	_ = 	snop  }
0x23: {  	[tilespmem:s23], [sflag:$0x2] =	stream.indirect.gather [hbm4b:s3+s22], $0x80, s22, s22, $0xb8;
	[tilespmem:$0x18200] =	vst v63  }
0x24: {  	_ = 	snop  }
0x25: {  	[tilespmem:s21], [sflag:$0x5] =	stream.indirect.gather [hbm4b:s4+s22], $0x80, s22, s22, $0xb8;
	[tilespmem:$0x18200] =	vst v63  }
0x26: {  	_ = 	snop  }
0x27: {  	[tilespmem:s20], [sflag:$0x3] =	stream.indirect.gather [hbm4b:s3+s22], $0x80, s30, s22, $0xb8;
	[tilespmem:$0x18200] =	vst v63  }
0x28: {  	_ = 	snop  }
0x29: {  	[tilespmem:s17], [sflag:$0x6] =	stream.indirect.gather [hbm4b:s4+s22], $0x80, s30, s22, $0xb8;
	[tilespmem:$0x18200] =	vst v63  }
0x2a: {  	_ =	swait.ge [sflag:s15], $0x4000  }
0x2b: {  	[sflag:s15] =	ssyncset.done $0x0  }
0x2c: {  	s1 =	rddreg [dreg:$0x7];
	[sflag:s15] =	ssyncadd.s32 $0xFFFFC000  }
0x2d: {  	[hbm4b:s1+s2] =	stream.linear.scatter [tilespmem:s12], [sflag:$0x7], $0x4000, $0x38;
	[tilespmem:$0x18200] =	vst v63  }
0x2e: {  	_ =	swait.ge [sflag:s13], $0x4000  }
0x2f: {  	[sflag:s13] =	ssyncset.done $0x0  }
0x30: {  	s1 =	rddreg [dreg:$0x8];
	[sflag:s13] =	ssyncadd.s32 $0xFFFFC000  }
0x31: {  	[hbm4b:s1+s2] =	stream.linear.scatter [tilespmem:s10], [sflag:$0xA], $0x4000, $0x38;
	[tilespmem:$0x18200] =	vst v63  }
0x32: {  	_ =	swait.ge [sflag:s6], $0x4000  }
0x33: {  	[sflag:s6] =	ssyncset.done $0x0  }
0x34: {  	[sflag:s6] =	ssyncadd.s32 $0xFFFFC000  }
0x35: {  	_ =	swait.ge [sflag:s5], $0x4000  }
0x36: {  	[sflag:s5] =	ssyncset.done $0x0  }
0x37: {  	[sflag:s5] =	ssyncadd.s32 $0xFFFFC000  }
0x38: {  	[tilespmem:s12], [sflag:$0x1] =	stream.indirect.gather [hbm4b:s3+s22], $0x80, s29, s22, $0xb8;
	[tilespmem:$0x18200] =	vst v63  }
0x39: {  	_ = 	snop  }
0x3a: {  	[tilespmem:s10], [sflag:$0x4] =	stream.indirect.gather [hbm4b:s4+s22], $0x80, s29, s22, $0xb8;
	[tilespmem:$0x18200] =	vst v63  }
0x3b: {  	_ =	swait.ge [sflag:s28], $0x4000  }
0x3c: {  	[sflag:s28] =	ssyncset.done $0x0  }
0x3d: {  	s1 =	rddreg [dreg:$0x9];
	[sflag:s28] =	ssyncadd.s32 $0xFFFFC000  }
0x3e: {  	[hbm4b:s1+s2] =	stream.linear.scatter [tilespmem:s23], [sflag:$0x8], $0x4000, $0x38;
	[tilespmem:$0x18200] =	vst v63  }
0x3f: {  	_ =	swait.ge [sflag:s25], $0x4000  }
0x40: {  	[sflag:s25] =	ssyncset.done $0x0  }
0x41: {  	s1 =	rddreg [dreg:$0xa];
	[sflag:s25] =	ssyncadd.s32 $0xFFFFC000  }
0x42: {  	[hbm4b:s1+s2] =	stream.linear.scatter [tilespmem:s21], [sflag:$0xB], $0x4000, $0x38;
	[tilespmem:$0x18200] =	vst v63  }
0x43: {  	_ =	swait.ge [sflag:s26], $0x4000  }
0x44: {  	[sflag:s26] =	ssyncset.done $0x0  }
0x45: {  	[sflag:s26] =	ssyncadd.s32 $0xFFFFC000  }
0x46: {  	[hbm4b:s11+s2] =	stream.linear.scatter [tilespmem:s20], [sflag:$0x9], $0x4000, $0x38;
	[tilespmem:$0x18200] =	vst v63  }
0x47: {  	_ =	swait.ge [sflag:s24], $0x4000  }
0x48: {  	[sflag:s24] =	ssyncset.done $0x0  }
0x49: {  	[sflag:s24] =	ssyncadd.s32 $0xFFFFC000  }
0x4a: {  	[hbm4b:s9+s2] =	stream.linear.scatter [tilespmem:s17], [sflag:$0xC], $0x4000, $0x38;
	[tilespmem:$0x18200] =	vst v63  }
0x4b: {  	_ =	swait.ge [sflag:s15], $0x4000  }
0x4c: {  	[sflag:s15] =	ssyncset.done $0x0  }
0x4d: {  	[sflag:s15] =	ssyncadd.s32 $0xFFFFC000  }
0x4e: {  	[hbm4b:s8+s2] =	stream.linear.scatter [tilespmem:s12], [sflag:$0x7], $0x4000, $0x38;
	[tilespmem:$0x18200] =	vst v63  }
0x4f: {  	_ =	swait.ge [sflag:s13], $0x4000  }
0x50: {  	[sflag:s13] =	ssyncset.done $0x0  }
0x51: {  	[sflag:s13] =	ssyncadd.s32 $0xFFFFC000  }
0x52: {  	[hbm4b:s7+s2] =	stream.linear.scatter [tilespmem:s10], [sflag:$0xA], $0x4000, $0x38;
	[tilespmem:$0x18200] =	vst v63  }
0x53: {  	_ =	swait.ge [sflag:s19], $0x4000  }
0x54: {  	[sflag:s19] =	ssyncset.done $0x0  }
0x55: {  	[sflag:s19] =	ssyncadd.s32 $0xFFFFC000  }
0x56: {  	_ =	swait.ge [sflag:s18], $0x4000  }
0x57: {  	[sflag:s18] =	ssyncset.done $0x0  }
0x58: {  	[sflag:s18] =	ssyncadd.s32 $0xFFFFC000  }
0x59: {  	_ =	swait.ge [sflag:s16], $0x4000  }
0x5a: {  	[sflag:s16] =	ssyncset.done $0x0  }
0x5b: {  	[sflag:s16] =	ssyncadd.s32 $0xFFFFC000  }
0x5c: {  	_ =	swait.ge [sflag:s14], $0x4000  }
0x5d: {  	[sflag:s14] =	ssyncset.done $0x0  }
0x5e: {  	p1 =	sne.s32 s0, $0x1;
	[sflag:s14] =	ssyncadd.s32 $0xFFFFC000  }
.Ltmp1:
0x5f: {  	_ =	swait.ge [sflag:s6], $0x4000;
	(pc) =	sbr.rel @!p1 .LBB2_3-.Ltmp1, $4  }
0x60: {  	[sflag:s6] =	ssyncset.done $0x0  }
0x61: {  	[sflag:s6] =	ssyncadd.s32 $0xFFFFC000  }
0x62: {  	s0 =	sadd.s32 $0xFFFFFFFF, s0;
	_ =	swait.ge [sflag:s5], $0x4000  }
0x63: {  	p0 =	por $0x1, $0x1;
	s1 =	rddreg [dreg:$0x6];
	[sflag:s5] =	ssyncset.done $0x0  }
.LBB2_2:
0x64: {  	[sflag:s5] =	ssyncadd.s32 $0xFFFFC000  }
0x65: {  	[tilespmem:s2], [sflag:$0xD] =	stream.strided.gather [hbm4b:s1+s22], $0x200, s30, s22, $0x38;
	[tilespmem:$0x18200] =	vst v63  }
0x66: {  	_ =	swait.ge [sflag:s31], $0x200  }
0x67: {  	[sflag:s31] =	ssyncset.done $0x0  }
0x68: {  	[sflag:s31] =	ssyncadd.s32 $0xFFFFFE00  }
0x69: {  	[tilespmem:s12], [sflag:$0x1] =	stream.indirect.gather [hbm4b:s3+s22], $0x80, s2, s22, $0xb8;
	[tilespmem:$0x18200] =	vst v63  }
0x6a: {  	_ = 	snop  }
0x6b: {  	[tilespmem:s10], [sflag:$0x4] =	stream.indirect.gather [hbm4b:s4+s22], $0x80, s2, s22, $0xb8;
	[tilespmem:$0x18200] =	vst v63  }
0x6c: {  	_ = 	snop  }
0x6d: {  	[tilespmem:s23], [sflag:$0x2] =	stream.indirect.gather [hbm4b:s3+s22], $0x80, s22, s22, $0xb8;
	[tilespmem:$0x18200] =	vst v63  }
0x6e: {  	_ = 	snop  }
0x6f: {  	[tilespmem:s21], [sflag:$0x5] =	stream.indirect.gather [hbm4b:s4+s22], $0x80, s22, s22, $0xb8;
	[tilespmem:$0x18200] =	vst v63  }
0x70: {  	_ = 	snop  }
0x71: {  	[tilespmem:s20], [sflag:$0x3] =	stream.indirect.gather [hbm4b:s3+s22], $0x80, s30, s22, $0xb8;
	[tilespmem:$0x18200] =	vst v63  }
0x72: {  	_ = 	snop  }
0x73: {  	[tilespmem:s17], [sflag:$0x6] =	stream.indirect.gather [hbm4b:s4+s22], $0x80, s30, s22, $0xb8;
	[tilespmem:$0x18200] =	vst v63  }
0x74: {  	_ =	swait.ge [sflag:s15], $0x4000  }
0x75: {  	[sflag:s15] =	ssyncset.done $0x0  }
0x76: {  	s1 =	rddreg [dreg:$0x7];
	[sflag:s15] =	ssyncadd.s32 $0xFFFFC000  }
0x77: {  	[hbm4b:s1+s2] =	stream.linear.scatter [tilespmem:s12], [sflag:$0x7], $0x4000, $0x38;
	[tilespmem:$0x18200] =	vst v63  }
0x78: {  	_ =	swait.ge [sflag:s13], $0x4000  }
0x79: {  	[sflag:s13] =	ssyncset.done $0x0  }
0x7a: {  	s1 =	rddreg [dreg:$0x8];
	[sflag:s13] =	ssyncadd.s32 $0xFFFFC000  }
0x7b: {  	[hbm4b:s1+s2] =	stream.linear.scatter [tilespmem:s10], [sflag:$0xA], $0x4000, $0x38;
	[tilespmem:$0x18200] =	vst v63  }
0x7c: {  	_ =	swait.ge [sflag:s6], $0x4000  }
0x7d: {  	[sflag:s6] =	ssyncset.done $0x0  }
0x7e: {  	[sflag:s6] =	ssyncadd.s32 $0xFFFFC000  }
0x7f: {  	_ =	swait.ge [sflag:s5], $0x4000  }
0x80: {  	[sflag:s5] =	ssyncset.done $0x0  }
0x81: {  	[sflag:s5] =	ssyncadd.s32 $0xFFFFC000  }
0x82: {  	[tilespmem:s12], [sflag:$0x1] =	stream.indirect.gather [hbm4b:s3+s22], $0x80, s29, s22, $0xb8;
	[tilespmem:$0x18200] =	vst v63  }
0x83: {  	_ = 	snop  }
0x84: {  	[tilespmem:s10], [sflag:$0x4] =	stream.indirect.gather [hbm4b:s4+s22], $0x80, s29, s22, $0xb8;
	[tilespmem:$0x18200] =	vst v63  }
0x85: {  	_ =	swait.ge [sflag:s28], $0x4000  }
0x86: {  	[sflag:s28] =	ssyncset.done $0x0  }
0x87: {  	s1 =	rddreg [dreg:$0x9];
	[sflag:s28] =	ssyncadd.s32 $0xFFFFC000  }
0x88: {  	[hbm4b:s1+s2] =	stream.linear.scatter [tilespmem:s23], [sflag:$0x8], $0x4000, $0x38;
	[tilespmem:$0x18200] =	vst v63  }
0x89: {  	_ =	swait.ge [sflag:s25], $0x4000  }
0x8a: {  	[sflag:s25] =	ssyncset.done $0x0  }
0x8b: {  	s1 =	rddreg [dreg:$0xa];
	[sflag:s25] =	ssyncadd.s32 $0xFFFFC000  }
0x8c: {  	[hbm4b:s1+s2] =	stream.linear.scatter [tilespmem:s21], [sflag:$0xB], $0x4000, $0x38;
	[tilespmem:$0x18200] =	vst v63  }
0x8d: {  	_ =	swait.ge [sflag:s26], $0x4000  }
0x8e: {  	[sflag:s26] =	ssyncset.done $0x0  }
0x8f: {  	[sflag:s26] =	ssyncadd.s32 $0xFFFFC000  }
0x90: {  	[hbm4b:s11+s2] =	stream.linear.scatter [tilespmem:s20], [sflag:$0x9], $0x4000, $0x38;
	[tilespmem:$0x18200] =	vst v63  }
0x91: {  	_ =	swait.ge [sflag:s24], $0x4000  }
0x92: {  	[sflag:s24] =	ssyncset.done $0x0  }
0x93: {  	[sflag:s24] =	ssyncadd.s32 $0xFFFFC000  }
0x94: {  	[hbm4b:s9+s2] =	stream.linear.scatter [tilespmem:s17], [sflag:$0xC], $0x4000, $0x38;
	[tilespmem:$0x18200] =	vst v63  }
0x95: {  	_ =	swait.ge [sflag:s15], $0x4000  }
0x96: {  	[sflag:s15] =	ssyncset.done $0x0  }
0x97: {  	[sflag:s15] =	ssyncadd.s32 $0xFFFFC000  }
0x98: {  	[hbm4b:s8+s2] =	stream.linear.scatter [tilespmem:s12], [sflag:$0x7], $0x4000, $0x38;
	[tilespmem:$0x18200] =	vst v63  }
0x99: {  	_ =	swait.ge [sflag:s13], $0x4000  }
0x9a: {  	[sflag:s13] =	ssyncset.done $0x0  }
0x9b: {  	[sflag:s13] =	ssyncadd.s32 $0xFFFFC000  }
0x9c: {  	[hbm4b:s7+s2] =	stream.linear.scatter [tilespmem:s10], [sflag:$0xA], $0x4000, $0x38;
	[tilespmem:$0x18200] =	vst v63  }
0x9d: {  	_ =	swait.ge [sflag:s19], $0x4000  }
0x9e: {  	[sflag:s19] =	ssyncset.done $0x0  }
0x9f: {  	[sflag:s19] =	ssyncadd.s32 $0xFFFFC000  }
0xa0: {  	_ =	swait.ge [sflag:s18], $0x4000  }
0xa1: {  	[sflag:s18] =	ssyncset.done $0x0  }
0xa2: {  	[sflag:s18] =	ssyncadd.s32 $0xFFFFC000  }
0xa3: {  	_ =	swait.ge [sflag:s16], $0x4000  }
0xa4: {  	[sflag:s16] =	ssyncset.done $0x0  }
0xa5: {  	[sflag:s16] =	ssyncadd.s32 $0xFFFFC000  }
0xa6: {  	_ =	swait.ge [sflag:s14], $0x4000  }
0xa7: {  	[sflag:s14] =	ssyncset.done $0x0  }
0xa8: {  	p1 =	sne.s32 s0, $0x1;
	[sflag:s14] =	ssyncadd.s32 $0xFFFFC000  }
.Ltmp2:
0xa9: {  	_ =	swait.ge [sflag:s6], $0x4000;
	(pc) =	sbr.rel @p1 .LBB2_2-.Ltmp2, $4  }
0xaa: {  	[sflag:s6] =	ssyncset.done $0x0  }
0xab: {  	[sflag:s6] =	ssyncadd.s32 $0xFFFFC000  }
0xac: {  	_ =	swait.ge [sflag:s5], $0x4000  }
0xad: {  	s0 =	sadd.s32 $0xFFFFFFFF, s0;
	s1 =	rddreg [dreg:$0x6];
	[sflag:s5] =	ssyncset.done $0x0  }
.LBB2_3:
0xae: {  	[sflag:s5] =	ssyncadd.s32 @p0 $0xFFFFC000  }
0xaf: {  	[tilespmem:s2], [sflag:$0xD] =	stream.strided.gather [hbm4b:s1+s22], $0x200, s30, s22, $0x38;
	[tilespmem:$0x18200] =	vst v63  }
0xb0: {  	_ =	swait.ge [sflag:s31], $0x200  }
0xb1: {  	[sflag:s31] =	ssyncset.done $0x0  }
0xb2: {  	[sflag:s31] =	ssyncadd.s32 $0xFFFFFE00  }
0xb3: {  	[tilespmem:s12], [sflag:$0x1] =	stream.indirect.gather [hbm4b:s3+s22], $0x80, s2, s22, $0xb8;
	[tilespmem:$0x18200] =	vst v63  }
0xb4: {  	_ = 	snop  }
0xb5: {  	[tilespmem:s10], [sflag:$0x4] =	stream.indirect.gather [hbm4b:s4+s22], $0x80, s2, s22, $0xb8;
	[tilespmem:$0x18200] =	vst v63  }
0xb6: {  	_ = 	snop  }
0xb7: {  	[tilespmem:s23], [sflag:$0x2] =	stream.indirect.gather [hbm4b:s3+s22], $0x80, s22, s22, $0xb8;
	[tilespmem:$0x18200] =	vst v63  }
0xb8: {  	_ = 	snop  }
0xb9: {  	[tilespmem:s21], [sflag:$0x5] =	stream.indirect.gather [hbm4b:s4+s22], $0x80, s22, s22, $0xb8;
	[tilespmem:$0x18200] =	vst v63  }
0xba: {  	_ = 	snop  }
0xbb: {  	[tilespmem:s20], [sflag:$0x3] =	stream.indirect.gather [hbm4b:s3+s22], $0x80, s30, s22, $0xb8;
	[tilespmem:$0x18200] =	vst v63  }
0xbc: {  	_ = 	snop  }
0xbd: {  	[tilespmem:s17], [sflag:$0x6] =	stream.indirect.gather [hbm4b:s4+s22], $0x80, s30, s22, $0xb8;
	[tilespmem:$0x18200] =	vst v63  }
0xbe: {  	_ =	swait.ge [sflag:s15], $0x4000  }
0xbf: {  	[sflag:s15] =	ssyncset.done $0x0  }
0xc0: {  	s0 =	rddreg [dreg:$0x7];
	[sflag:s15] =	ssyncadd.s32 $0xFFFFC000  }
0xc1: {  	[hbm4b:s0+s2] =	stream.linear.scatter [tilespmem:s12], [sflag:$0x7], $0x4000, $0x38;
	[tilespmem:$0x18200] =	vst v63  }
0xc2: {  	_ =	swait.ge [sflag:s13], $0x4000  }
0xc3: {  	[sflag:s13] =	ssyncset.done $0x0  }
0xc4: {  	s1 =	rddreg [dreg:$0x8];
	[sflag:s13] =	ssyncadd.s32 $0xFFFFC000  }
0xc5: {  	[hbm4b:s1+s2] =	stream.linear.scatter [tilespmem:s10], [sflag:$0xA], $0x4000, $0x38;
	[tilespmem:$0x18200] =	vst v63  }
0xc6: {  	_ =	swait.ge [sflag:s6], $0x4000  }
0xc7: {  	[sflag:s6] =	ssyncset.done $0x0  }
0xc8: {  	[sflag:s6] =	ssyncadd.s32 $0xFFFFC000  }
0xc9: {  	_ =	swait.ge [sflag:s5], $0x4000  }
0xca: {  	[sflag:s5] =	ssyncset.done $0x0  }
0xcb: {  	[sflag:s5] =	ssyncadd.s32 $0xFFFFC000  }
0xcc: {  	[tilespmem:s12], [sflag:$0x1] =	stream.indirect.gather [hbm4b:s3+s22], $0x80, s29, s22, $0xb8;
	[tilespmem:$0x18200] =	vst v63  }
0xcd: {  	_ = 	snop  }
0xce: {  	[tilespmem:s10], [sflag:$0x4] =	stream.indirect.gather [hbm4b:s4+s22], $0x80, s29, s22, $0xb8;
	[tilespmem:$0x18200] =	vst v63  }
0xcf: {  	_ =	swait.ge [sflag:s28], $0x4000  }
0xd0: {  	[sflag:s28] =	ssyncset.done $0x0  }
0xd1: {  	s29 =	rddreg [dreg:$0x9];
	[sflag:s28] =	ssyncadd.s32 $0xFFFFC000  }
0xd2: {  	[hbm4b:s29+s2] =	stream.linear.scatter [tilespmem:s23], [sflag:$0x8], $0x4000, $0x38;
	[tilespmem:$0x18200] =	vst v63  }
0xd3: {  	_ =	swait.ge [sflag:s25], $0x4000  }
0xd4: {  	[sflag:s25] =	ssyncset.done $0x0  }
0xd5: {  	s30 =	rddreg [dreg:$0xa];
	[sflag:s25] =	ssyncadd.s32 $0xFFFFC000  }
0xd6: {  	[hbm4b:s30+s2] =	stream.linear.scatter [tilespmem:s21], [sflag:$0xB], $0x4000, $0x38;
	[tilespmem:$0x18200] =	vst v63  }
0xd7: {  	_ =	swait.ge [sflag:s26], $0x4000  }
0xd8: {  	[sflag:s26] =	ssyncset.done $0x0  }
0xd9: {  	[sflag:s26] =	ssyncadd.s32 $0xFFFFC000  }
0xda: {  	[hbm4b:s11+s2] =	stream.linear.scatter [tilespmem:s20], [sflag:$0x9], $0x4000, $0x38;
	[tilespmem:$0x18200] =	vst v63  }
0xdb: {  	_ =	swait.ge [sflag:s24], $0x4000  }
0xdc: {  	[sflag:s24] =	ssyncset.done $0x0  }
0xdd: {  	[sflag:s24] =	ssyncadd.s32 $0xFFFFC000  }
0xde: {  	[hbm4b:s9+s2] =	stream.linear.scatter [tilespmem:s17], [sflag:$0xC], $0x4000, $0x38;
	[tilespmem:$0x18200] =	vst v63  }
0xdf: {  	_ =	swait.ge [sflag:s15], $0x4000  }
0xe0: {  	[sflag:s15] =	ssyncset.done $0x0  }
0xe1: {  	[sflag:s15] =	ssyncadd.s32 $0xFFFFC000  }
0xe2: {  	[hbm4b:s8+s2] =	stream.linear.scatter [tilespmem:s12], [sflag:$0x7], $0x4000, $0x38;
	[tilespmem:$0x18200] =	vst v63  }
0xe3: {  	_ =	swait.ge [sflag:s13], $0x4000  }
0xe4: {  	[sflag:s13] =	ssyncset.done $0x0  }
0xe5: {  	[sflag:s13] =	ssyncadd.s32 $0xFFFFC000  }
0xe6: {  	[hbm4b:s7+s2] =	stream.linear.scatter [tilespmem:s10], [sflag:$0xA], $0x4000, $0x38;
	[tilespmem:$0x18200] =	vst v63  }
0xe7: {  	_ =	swait.ge [sflag:s19], $0x4000  }
0xe8: {  	[sflag:s19] =	ssyncset.done $0x0  }
0xe9: {  	[sflag:s19] =	ssyncadd.s32 $0xFFFFC000  }
0xea: {  	_ =	swait.ge [sflag:s18], $0x4000  }
0xeb: {  	[sflag:s18] =	ssyncset.done $0x0  }
0xec: {  	[sflag:s18] =	ssyncadd.s32 $0xFFFFC000  }
0xed: {  	_ =	swait.ge [sflag:s16], $0x4000  }
0xee: {  	[sflag:s16] =	ssyncset.done $0x0  }
0xef: {  	[sflag:s16] =	ssyncadd.s32 $0xFFFFC000  }
0xf0: {  	_ =	swait.ge [sflag:s14], $0x4000  }
0xf1: {  	[sflag:s14] =	ssyncset.done $0x0  }
0xf2: {  	[sflag:s14] =	ssyncadd.s32 $0xFFFFC000  }
0xf3: {  	_ =	swait.ge [sflag:s6], $0x4000  }
0xf4: {  	[sflag:s6] =	ssyncset.done $0x0  }
0xf5: {  	[sflag:s6] =	ssyncadd.s32 $0xFFFFC000  }
0xf6: {  	_ =	swait.ge [sflag:s5], $0x4000  }
0xf7: {  	[sflag:s5] =	ssyncset.done $0x0  }
0xf8: {  	[sflag:s5] =	ssyncadd.s32 $0xFFFFC000  }
0xf9: {  	_ =	sfence.sel $0x180000  }
0xfa: {  	[bflag:$0x0] =	sbarrier.arrive $0xFFFF  }
0xfb: {  	_ =	strace $0x90000047  }
0xfc: {  	s31 =	stileid.u32;
	[bflag:$0x2] =	sbarrier.arrive $0xFFFF  }
0xfd: {  	p0 =	sne.s32 s31, $0x0;
	s0 =	rddreg [dreg:$0x5]  }
0xfe: {  	s0 =	sadd.s32 @!p0 $0x100000, s0  }
0xff: {  	[sflag:s0] =	ssyncadd.tile.s32 @!p0 $0x1;
	_ =	shalt  }
.Lfunc_end2:
_tile_overlayer_lowered:
.L_overlay_start_2:
0x100: {  	(tag) =	ssettag $0x2  }
0x101: {  	s0 =	rddreg [dreg:$0x0];
	s2 =	stileid.u32  }
0x102: {  	s1 =	rddreg [dreg:$0x1];
	p0 =	sne.s32 s2, $0x0  }
0x103: {  	s3 =	rddreg [dreg:$0x2];
	[bflag:$0x3] =	sbarrier.arrive $0xFFFF;
	s2 =	simm.s32 @!p0 $0x1C0D  }
0x104: {  	[timem:s3], [sflag:s2] =	dma.local @!p0 [hbm:s0], s1  }
0x105: {  	s0 =	simm.s32 @!p0 $0xD  }
0x106: {  	_ =	swait.ge @!p0 [sflag:s0], s1  }
0x107: {  	s1 =	ssub.s32 @!p0 $0x0, s1;
	[sflag:s0] =	ssyncset.done @!p0 $0x0  }
0x108: {  	[sflag:s0] =	ssyncadd.s32 @!p0 s1  }
0x109: {  	[bflag:$0x3] =	sbarrier.arrive $0xFFFF  }
0x10a: {  	_ =	shalt  }

</sc_bundles>
